<compile_context>
chip_gen: v7x
topology: tpu7x:2x2x1
jax: 0.10.2.dev20260603
libtpu: 0.0.44.dev20260713+nightly
codegen_flags: <defaults>
</compile_context>

<pallas_src>
import functools

import jax
import jax.numpy as jnp
from jax import lax
from jax.experimental import pallas as pl
from jax.experimental.pallas import tpu as pltpu
from jax.experimental.pallas import tpu_sc as plsc

N = 10000
NP = 10240
E = 320000
D_IN = 128
HID = 128
NCLS = 40
NC_PAD = 128

NW = 32
B = 128
TOTB = 2560
CH = 8
EPAD = TOTB * B - E
ROWS = NP // 16
K0 = 80
K1 = 80

_mesh = functools.partial(
    plsc.VectorSubcoreMesh, core_axis_name="c", subcore_axis_name="s")


def _make_agg(D):

  @functools.partial(
      pl.kernel,
      out_type=jax.ShapeDtypeStruct((2, NP, D), jnp.float32),
      mesh=_mesh(),
      scratch_types=[
          pltpu.VMEM((2, CH, B), jnp.int32),
          pltpu.VMEM((2, CH, B), jnp.int32),
          pltpu.VMEM((2, B, D), jnp.float32),
          pltpu.VMEM_SHARED((NP, D), jnp.float32),
          pltpu.SemaphoreType.DMA((2,)),
      ],
  )
  def agg(g_hbm, src_hbm, dst_hbm, zero_hbm, out_hbm,
          src_v, dst_v, rows_v, acc, sems):
    c = lax.axis_index("c")
    s = lax.axis_index("s")
    w = c * 16 + s
    r0 = s * ROWS

    @pl.when(c == 0)
    def _():
      pltpu.sync_copy(g_hbm.at[pl.ds(r0, ROWS)], acc.at[pl.ds(r0, ROWS)])

    @pl.when(c != 0)
    def _():
      pltpu.sync_copy(zero_hbm.at[pl.ds(r0, ROWS)], acc.at[pl.ds(r0, ROWS)])

    nb = TOTB // NW
    nch = nb // CH

    pltpu.sync_copy(src_hbm.at[w, pl.ds(0, CH)], src_v.at[0])
    pltpu.sync_copy(dst_hbm.at[w, pl.ds(0, CH)], dst_v.at[0])
    plsc.subcore_barrier()

    pltpu.async_copy(g_hbm.at[src_v.at[0, 0]], rows_v.at[0], sems.at[0])

    def outer(ch, carry):
      @pl.when(ch + 1 < nch)
      def _():
        pltpu.sync_copy(src_hbm.at[w, pl.ds((ch + 1) * CH, CH)],
                        src_v.at[lax.rem(ch + 1, 2)])
        pltpu.sync_copy(dst_hbm.at[w, pl.ds((ch + 1) * CH, CH)],
                        dst_v.at[lax.rem(ch + 1, 2)])

      def inner(j, carry2):
        i = ch * CH + j
        n = i + 1

        @pl.when(n < nb)
        def _():
          pltpu.async_copy(
              g_hbm.at[src_v.at[lax.rem(n // CH, 2), lax.rem(n, CH)]],
              rows_v.at[lax.rem(n, 2)], sems.at[lax.rem(n, 2)])

        p = lax.rem(i, 2)
        pltpu.make_async_copy(g_hbm.at[src_v.at[0, 0]], rows_v.at[p],
                              sems.at[p]).wait()
        pltpu.sync_copy(rows_v.at[p], acc.at[dst_v.at[lax.rem(ch, 2), j]],
                        add=True)
        return carry2

      lax.fori_loop(0, CH, inner, 0)
      return carry

    lax.fori_loop(0, nch, outer, 0)
    plsc.subcore_barrier()
    pltpu.sync_copy(acc.at[pl.ds(r0, ROWS)], out_hbm.at[c, pl.ds(r0, ROWS)])

  return agg


_agg_hid = _make_agg(HID)
_agg_cls = _make_agg(NC_PAD)


@functools.partial(
    pl.kernel,
    out_type=jax.ShapeDtypeStruct((2, NP, 16), jnp.float32),
    mesh=_mesh(),
    scratch_types=[
        pltpu.VMEM((TOTB // NW, B), jnp.int32),
        pltpu.VMEM((B, 16), jnp.float32),
        pltpu.VMEM_SHARED((NP, 16), jnp.float32),
    ],
    compiler_params=pltpu.CompilerParams(use_tc_tiling_on_sc=False),
)
def _deg(dst_hbm, ones_hbm, zero_hbm, out_hbm, dst_v, ones_v, acc):
  c = lax.axis_index("c")
  s = lax.axis_index("s")
  w = c * 16 + s
  r0 = s * ROWS

  pltpu.sync_copy(zero_hbm.at[pl.ds(r0, ROWS)], acc.at[pl.ds(r0, ROWS)])
  pltpu.sync_copy(ones_hbm, ones_v)
  nb = TOTB // NW
  pltpu.sync_copy(dst_hbm.at[w], dst_v)
  plsc.subcore_barrier()

  def body(i, carry):
    pltpu.sync_copy(ones_v, acc.at[dst_v.at[i]], add=True)
    return carry

  lax.fori_loop(0, nb, body, 0)
  plsc.subcore_barrier()
  pltpu.sync_copy(acc.at[pl.ds(r0, ROWS)], out_hbm.at[c, pl.ds(r0, ROWS)])


def _dinv_from_degp(degp_blk):
  deg = jnp.sum(degp_blk, axis=(0, 2)) * (1.0 / 16.0) + 1.0
  return lax.rsqrt(deg)


def _tc1_body(x_ref, w_ref, degp_ref, g_ref):
  dinv = _dinv_from_degp(degp_ref[...])
  h = jnp.dot(x_ref[...], w_ref[...], preferred_element_type=jnp.float32)
  g_ref[...] = h * dinv[:, None]


def _tc2_body(p_ref, degp_ref, b1_ref, w2_ref, g2_ref):
  dinv = _dinv_from_degp(degp_ref[...])
  y = (p_ref[0] + p_ref[1]) * dinv[:, None] + b1_ref[...]
  h = jnp.maximum(y, 0.0)
  g2_ref[...] = jnp.dot(h, w2_ref[...],
                        preferred_element_type=jnp.float32) * dinv[:, None]


def _tc3_body(p_ref, degp_ref, b2_ref, o_ref):
  dinv = _dinv_from_degp(degp_ref[...])
  y = (p_ref[0] + p_ref[1]) * dinv[:, None] + b2_ref[...]
  lanes = lax.broadcasted_iota(jnp.int32, y.shape, 1)
  ym = jnp.where(lanes < NCLS, y, -1e30)
  m = jnp.max(ym, axis=1, keepdims=True)
  lse = jnp.log(jnp.sum(jnp.exp(ym - m), axis=1, keepdims=True))
  o_ref[...] = y - m - lse


_BR = 512
_GRID = (NP // _BR,)


def _tc1(x_pad, W1, degp):
  return pl.pallas_call(
      _tc1_body,
      grid=_GRID,
      in_specs=[
          pl.BlockSpec((_BR, D_IN), lambda i: (i, 0)),
          pl.BlockSpec((D_IN, HID), lambda i: (0, 0)),
          pl.BlockSpec((2, _BR, 16), lambda i: (0, i, 0)),
      ],
      out_specs=pl.BlockSpec((_BR, HID), lambda i: (i, 0)),
      out_shape=jax.ShapeDtypeStruct((NP, HID), jnp.float32),
  )(x_pad, W1, degp)


def _tc2(p1, degp, b1r, W2p):
  return pl.pallas_call(
      _tc2_body,
      grid=_GRID,
      in_specs=[
          pl.BlockSpec((2, _BR, HID), lambda i: (0, i, 0)),
          pl.BlockSpec((2, _BR, 16), lambda i: (0, i, 0)),
          pl.BlockSpec((1, HID), lambda i: (0, 0)),
          pl.BlockSpec((HID, NC_PAD), lambda i: (0, 0)),
      ],
      out_specs=pl.BlockSpec((_BR, NC_PAD), lambda i: (i, 0)),
      out_shape=jax.ShapeDtypeStruct((NP, NC_PAD), jnp.float32),
  )(p1, degp, b1r, W2p)


def _tc3(p2, degp, b2r):
  return pl.pallas_call(
      _tc3_body,
      grid=_GRID,
      in_specs=[
          pl.BlockSpec((2, _BR, NC_PAD), lambda i: (0, i, 0)),
          pl.BlockSpec((2, _BR, 16), lambda i: (0, i, 0)),
          pl.BlockSpec((1, NC_PAD), lambda i: (0, 0)),
      ],
      out_specs=pl.BlockSpec((_BR, NC_PAD), lambda i: (i, 0)),
      out_shape=jax.ShapeDtypeStruct((NP, NC_PAD), jnp.float32),
  )(p2, degp, b2r)


@jax.jit
def kernel(x, edge_index, W1, b1, W2, b2):
  ei = edge_index.astype(jnp.int32)
  pad_dst = N + jnp.arange(EPAD, dtype=jnp.int32) % (NP - N)
  src = jnp.concatenate([ei[0], jnp.zeros((EPAD,), jnp.int32)])
  dst = jnp.concatenate([ei[1], pad_dst])
  src3 = src.reshape(NW, TOTB // NW, B)
  dst3 = dst.reshape(NW, TOTB // NW, B)

  x_pad = jnp.pad(x, ((0, NP - N), (0, 0)))
  W2p = jnp.pad(W2, ((0, 0), (0, NC_PAD - NCLS)))
  b1r = b1[None, :]
  b2r = jnp.pad(b2, (0, NC_PAD - NCLS))[None, :]

  ones16 = jnp.ones((B, 16), jnp.float32)
  z16 = jnp.zeros((NP, 16), jnp.float32)
  zhid = jnp.zeros((NP, HID), jnp.float32)
  zcls = jnp.zeros((NP, NC_PAD), jnp.float32)

  degp = _deg(dst3, ones16, z16)
  g1 = _tc1(x_pad, W1, degp)
  p1 = _agg_hid(g1, src3, dst3, zhid)
  g2 = _tc2(p1, degp, b1r, W2p)
  p2 = _agg_cls(g2, src3, dst3, zcls)
  outp = _tc3(p2, degp, b2r)
  return outp[:N, :NCLS]

# --- scband reference (transcript-rebuilt; emitter-appended) ---
"""Pipeline reference for scband-net-49761491091456 (READ-ONLY COPY).

The authoritative reference and input builder live on the scoring server;
editing this copy changes nothing except your own understanding.
"""

import jax, jax.numpy as jnp
import numpy as np

N = 10000
E = 320000
D_IN = 128
HID = 128
NCLS = 40


def setup_inputs(seed: int = 0) -> dict:
    key = jax.random.key(seed)
    ks = jax.random.split(key, 4)
    x = jax.random.normal(ks[0], (N, D_IN), dtype=jnp.float32)
    edge_index = jax.random.randint(ks[1], (2, E), 0, N)
    W1 = jax.random.normal(ks[2], (D_IN, HID), dtype=jnp.float32) * (1.0 / np.sqrt(D_IN))
    b1 = jnp.zeros((HID,), dtype=jnp.float32)
    W2 = jax.random.normal(ks[3], (HID, NCLS), dtype=jnp.float32) * (1.0 / np.sqrt(HID))
    b2 = jnp.zeros((NCLS,), dtype=jnp.float32)
    return {"x": x, "edge_index": edge_index, "W1": W1, "b1": b1, "W2": W2, "b2": b2}


def gcn_conv(x, edge_index, W, b):
    # PyG GCNConv: add self loops, symmetric normalization, linear transform, scatter-add aggregate
    n = x.shape[0]
    loop = jnp.arange(n, dtype=edge_index.dtype)
    src = jnp.concatenate([edge_index[0], loop])
    dst = jnp.concatenate([edge_index[1], loop])
    deg = jnp.zeros((n,), dtype=x.dtype).at[dst].add(1.0)
    dinv = jnp.where(deg > 0, jax.lax.rsqrt(jnp.maximum(deg, 1e-12)), 0.0)
    norm = dinv[src] * dinv[dst]
    h = x @ W
    msg = h[src] * norm[:, None]
    agg = jnp.zeros((n, h.shape[1]), dtype=x.dtype).at[dst].add(msg)
    return agg + b


def reference(x, edge_index, W1, b1, W2, b2):
    h = gcn_conv(x, edge_index, W1, b1)
    h = jax.nn.relu(h)
    # dropout is identity in eval mode (training=False)
    out = gcn_conv(h, edge_index, W2, b2)
    return jax.nn.log_softmax(out, axis=1)

if __name__ == "__main__":
    import jax
    _d = setup_inputs()
    print(jax.jit(kernel)(*tuple(_d.values())))

</pallas_src>

<mosaic_0001>
#map = affine_map<(d0, d1) -> (0, 0, 0)>
#map1 = affine_map<(d0, d1) -> (0, 0)>
module attributes {stable_mosaic.version = 14 : i64} {
  func.func @_deg(%arg0: i32, %arg1: i32, %arg2: memref<32x80x128xi32, #tpu.memory_space<hbm>>, %arg3: memref<128x16xf32, #tpu.memory_space<hbm>>, %arg4: memref<10240x16xf32, #tpu.memory_space<hbm>>, %arg5: memref<2x10240x16xf32, #tpu.memory_space<hbm>>, %arg6: memref<80x128xi32, #tpu.memory_space<vmem>>, %arg7: memref<128x16xf32, #tpu.memory_space<vmem>>, %arg8: memref<10240x16xf32, #tpu.memory_space<vmem_shared>>) attributes {dimension_semantics = [#tpu.dimension_semantics<core_parallel>, #tpu.dimension_semantics<subcore_parallel>], iteration_bounds = array<i64: 2, 16>, scalar_prefetch = 0 : i64, scratch_operands = 3 : i64, tpu.core_type = #tpu.core_type<sc_vector_subcore>, window_params = [{transform_indices = #map}, {transform_indices = #map1}, {transform_indices = #map1}, {transform_indices = #map}]} {
    %mul3A = arith.constant 16 : i32
    %mul3A_0 = arith.muli %arg0, %mul3A : i32
    %add3A = arith.addi %mul3A_0, %arg1 : i32
    %mul3A_1 = arith.constant 640 : i32
    %mul3A_2 = arith.muli %arg1, %mul3A_1 : i32
    "tpu.region"() ({
      %run_scoped3A = tpu.sem_alloc : memref<!tpu.dma_semaphore, #tpu.memory_space<semaphore_mem>>
      %dma_start3A = arith.constant 0 : i32
      %dma_start3A_9 = tpu.memref_slice %arg8[%mul3A_2, %dma_start3A] : memref<10240x16xf32, #tpu.memory_space<vmem_shared>> -> memref<640x16xf32, #tpu.memory_space<vmem_shared>>
      %dma_start3A_10 = arith.constant 0 : i32
      %dma_start3A_11 = tpu.memref_slice %arg4[%mul3A_2, %dma_start3A_10] : memref<10240x16xf32, #tpu.memory_space<hbm>> -> memref<640x16xf32, #tpu.memory_space<hbm>>
      tpu.enqueue_dma source(%dma_start3A_11 : memref<640x16xf32, #tpu.memory_space<hbm>>) target(%dma_start3A_9 : memref<640x16xf32, #tpu.memory_space<vmem_shared>>) target_semaphore(%run_scoped3A : memref<!tpu.dma_semaphore, #tpu.memory_space<semaphore_mem>>)
      %dma_wait3A = arith.constant 0 : i32
      %dma_wait3A_12 = tpu.memref_slice %arg8[%mul3A_2, %dma_wait3A] : memref<10240x16xf32, #tpu.memory_space<vmem_shared>> -> memref<640x16xf32, #tpu.memory_space<vmem_shared>>
      %dma_wait3A_13 = arith.constant 0 : i32
      %dma_wait3A_14 = tpu.memref_slice %arg4[%mul3A_2, %dma_wait3A_13] : memref<10240x16xf32, #tpu.memory_space<hbm>> -> memref<640x16xf32, #tpu.memory_space<hbm>>
      tpu.wait_dma2 semaphore(%run_scoped3A : memref<!tpu.dma_semaphore, #tpu.memory_space<semaphore_mem>>) src(%dma_wait3A_14 : memref<640x16xf32, #tpu.memory_space<hbm>>) dst(%dma_wait3A_12 : memref<640x16xf32, #tpu.memory_space<vmem_shared>>)
      tpu.yield
    }) : () -> ()
    "tpu.region"() ({
      %run_scoped3A = tpu.sem_alloc : memref<!tpu.dma_semaphore, #tpu.memory_space<semaphore_mem>>
      tpu.enqueue_dma source(%arg3 : memref<128x16xf32, #tpu.memory_space<hbm>>) target(%arg7 : memref<128x16xf32, #tpu.memory_space<vmem>>) target_semaphore(%run_scoped3A : memref<!tpu.dma_semaphore, #tpu.memory_space<semaphore_mem>>)
      tpu.wait_dma2 semaphore(%run_scoped3A : memref<!tpu.dma_semaphore, #tpu.memory_space<semaphore_mem>>) src(%arg3 : memref<128x16xf32, #tpu.memory_space<hbm>>) dst(%arg7 : memref<128x16xf32, #tpu.memory_space<vmem>>)
      tpu.yield
    }) : () -> ()
    "tpu.region"() ({
      %run_scoped3A = tpu.sem_alloc : memref<!tpu.dma_semaphore, #tpu.memory_space<semaphore_mem>>
      %dma_start3A = arith.constant 0 : i32
      %dma_start3A_9 = arith.constant 0 : i32
      %dma_start3A_10 = tpu.memref_slice %arg2[%add3A, %dma_start3A, %dma_start3A_9] : memref<32x80x128xi32, #tpu.memory_space<hbm>> -> memref<1x80x128xi32, #tpu.memory_space<hbm>>
      %dma_start3A_11 = tpu.memref_squeeze %dma_start3A_10 : memref<1x80x128xi32, #tpu.memory_space<hbm>> -> memref<80x128xi32, #tpu.memory_space<hbm>>
      %dma_start3A_12 = arith.constant 0 : i32
      %dma_start3A_13 = arith.constant 0 : i32
      %dma_start3A_14 = tpu.memref_slice %arg2[%add3A, %dma_start3A_12, %dma_start3A_13] : memref<32x80x128xi32, #tpu.memory_space<hbm>> -> memref<1x80x128xi32, #tpu.memory_space<hbm>>
      %dma_start3A_15 = tpu.memref_squeeze %dma_start3A_14 : memref<1x80x128xi32, #tpu.memory_space<hbm>> -> memref<80x128xi32, #tpu.memory_space<hbm>>
      tpu.enqueue_dma source(%dma_start3A_15 : memref<80x128xi32, #tpu.memory_space<hbm>>) target(%arg6 : memref<80x128xi32, #tpu.memory_space<vmem>>) target_semaphore(%run_scoped3A : memref<!tpu.dma_semaphore, #tpu.memory_space<semaphore_mem>>)
      %dma_wait3A = arith.constant 0 : i32
      %dma_wait3A_16 = arith.constant 0 : i32
      %dma_wait3A_17 = tpu.memref_slice %arg2[%add3A, %dma_wait3A, %dma_wait3A_16] : memref<32x80x128xi32, #tpu.memory_space<hbm>> -> memref<1x80x128xi32, #tpu.memory_space<hbm>>
      %dma_wait3A_18 = tpu.memref_squeeze %dma_wait3A_17 : memref<1x80x128xi32, #tpu.memory_space<hbm>> -> memref<80x128xi32, #tpu.memory_space<hbm>>
      %dma_wait3A_19 = arith.constant 0 : i32
      %dma_wait3A_20 = arith.constant 0 : i32
      %dma_wait3A_21 = tpu.memref_slice %arg2[%add3A, %dma_wait3A_19, %dma_wait3A_20] : memref<32x80x128xi32, #tpu.memory_space<hbm>> -> memref<1x80x128xi32, #tpu.memory_space<hbm>>
      %dma_wait3A_22 = tpu.memref_squeeze %dma_wait3A_21 : memref<1x80x128xi32, #tpu.memory_space<hbm>> -> memref<80x128xi32, #tpu.memory_space<hbm>>
      tpu.wait_dma2 semaphore(%run_scoped3A : memref<!tpu.dma_semaphore, #tpu.memory_space<semaphore_mem>>) src(%dma_wait3A_22 : memref<80x128xi32, #tpu.memory_space<hbm>>) dst(%arg6 : memref<80x128xi32, #tpu.memory_space<vmem>>)
      tpu.yield
    }) : () -> ()
    %barrier3A = arith.constant 0 : index
    tpu.barrier barrier_id(%barrier3A)
    %scan3A = arith.constant 0 : i32
    %scan3A_3 = arith.constant 0 : i32
    %scan3A_4 = arith.constant 80 : i32
    %scan3A_5 = arith.addi %scan3A_3, %scan3A_4 : i32
    %scan3A_6 = arith.constant 1 : i32
    scf.for %scan3A_9 = %scan3A_3 to %scan3A_5 step %scan3A_6  : i32 {
      "tpu.region"() ({
        %run_scoped3A = tpu.sem_alloc : memref<!tpu.dma_semaphore, #tpu.memory_space<semaphore_mem>>
        %dma_start3A = arith.constant 0 : i32
        %dma_start3A_10 = tpu.memref_slice %arg6[%scan3A_9, %dma_start3A] : memref<80x128xi32, #tpu.memory_space<vmem>> -> memref<1x128xi32, #tpu.memory_space<vmem>>
        %dma_start3A_11 = tpu.memref_squeeze %dma_start3A_10 : memref<1x128xi32, #tpu.memory_space<vmem>> -> memref<128xi32, #tpu.memory_space<vmem>>
        %dma_start3A_12 = arith.constant 0 : i32
        %dma_start3A_13 = arith.constant 0 : i32
        %dma_start3A_14 = tpu.memref_slice %arg8[%dma_start3A_12, %dma_start3A_13] : memref<10240x16xf32, #tpu.memory_space<vmem_shared>> -> memref<10240x16xf32, #tpu.memory_space<vmem_shared>>
        tpu.enqueue_indirect_dma source(%arg7 : memref<128x16xf32, #tpu.memory_space<vmem>>) target(%dma_start3A_14 : memref<10240x16xf32, #tpu.memory_space<vmem_shared>>) offsets(%dma_start3A_11 : memref<128xi32, #tpu.memory_space<vmem>>) semaphore(%run_scoped3A : memref<!tpu.dma_semaphore, #tpu.memory_space<semaphore_mem>>) {add = true}
        %dma_wait3A = arith.constant 0 : i32
        %dma_wait3A_15 = tpu.memref_slice %arg6[%scan3A_9, %dma_wait3A] : memref<80x128xi32, #tpu.memory_space<vmem>> -> memref<1x128xi32, #tpu.memory_space<vmem>>
        %dma_wait3A_16 = tpu.memref_squeeze %dma_wait3A_15 : memref<1x128xi32, #tpu.memory_space<vmem>> -> memref<128xi32, #tpu.memory_space<vmem>>
        %dma_wait3A_17 = arith.constant 0 : i32
        %dma_wait3A_18 = arith.constant 0 : i32
        %dma_wait3A_19 = tpu.memref_slice %arg8[%dma_wait3A_17, %dma_wait3A_18] : memref<10240x16xf32, #tpu.memory_space<vmem_shared>> -> memref<10240x16xf32, #tpu.memory_space<vmem_shared>>
        tpu.wait_indirect_dma semaphore(%run_scoped3A : memref<!tpu.dma_semaphore, #tpu.memory_space<semaphore_mem>>) src(%arg7 : memref<128x16xf32, #tpu.memory_space<vmem>>) dst(%dma_wait3A_19 : memref<10240x16xf32, #tpu.memory_space<vmem_shared>>)
        tpu.yield
      }) : () -> ()
    }
    %scan3A_7 = arith.constant 80 : i32
    %barrier3A_8 = arith.constant 0 : index
    tpu.barrier barrier_id(%barrier3A_8)
    "tpu.region"() ({
      %run_scoped3A = tpu.sem_alloc : memref<!tpu.dma_semaphore, #tpu.memory_space<semaphore_mem>>
      %dma_start3A = arith.constant 0 : i32
      %dma_start3A_9 = tpu.memref_slice %arg5[%arg0, %mul3A_2, %dma_start3A] : memref<2x10240x16xf32, #tpu.memory_space<hbm>> -> memref<1x640x16xf32, #tpu.memory_space<hbm>>
      %dma_start3A_10 = tpu.memref_squeeze %dma_start3A_9 : memref<1x640x16xf32, #tpu.memory_space<hbm>> -> memref<640x16xf32, #tpu.memory_space<hbm>>
      %dma_start3A_11 = arith.constant 0 : i32
      %dma_start3A_12 = tpu.memref_slice %arg8[%mul3A_2, %dma_start3A_11] : memref<10240x16xf32, #tpu.memory_space<vmem_shared>> -> memref<640x16xf32, #tpu.memory_space<vmem_shared>>
      tpu.enqueue_dma source(%dma_start3A_12 : memref<640x16xf32, #tpu.memory_space<vmem_shared>>) target(%dma_start3A_10 : memref<640x16xf32, #tpu.memory_space<hbm>>) target_semaphore(%run_scoped3A : memref<!tpu.dma_semaphore, #tpu.memory_space<semaphore_mem>>)
      %dma_wait3A = arith.constant 0 : i32
      %dma_wait3A_13 = tpu.memref_slice %arg5[%arg0, %mul3A_2, %dma_wait3A] : memref<2x10240x16xf32, #tpu.memory_space<hbm>> -> memref<1x640x16xf32, #tpu.memory_space<hbm>>
      %dma_wait3A_14 = tpu.memref_squeeze %dma_wait3A_13 : memref<1x640x16xf32, #tpu.memory_space<hbm>> -> memref<640x16xf32, #tpu.memory_space<hbm>>
      %dma_wait3A_15 = arith.constant 0 : i32
      %dma_wait3A_16 = tpu.memref_slice %arg8[%mul3A_2, %dma_wait3A_15] : memref<10240x16xf32, #tpu.memory_space<vmem_shared>> -> memref<640x16xf32, #tpu.memory_space<vmem_shared>>
      tpu.wait_dma2 semaphore(%run_scoped3A : memref<!tpu.dma_semaphore, #tpu.memory_space<semaphore_mem>>) src(%dma_wait3A_16 : memref<640x16xf32, #tpu.memory_space<vmem_shared>>) dst(%dma_wait3A_14 : memref<640x16xf32, #tpu.memory_space<hbm>>)
      tpu.yield
    }) : () -> ()
    return
  }
}

#map = affine_map<(d0, d1) -> (0, 0)>
#map1 = affine_map<(d0, d1) -> (0, 0, 0)>
module attributes {stable_mosaic.version = 14 : i64} {
  func.func @agg(%arg0: i32, %arg1: i32, %arg2: memref<10240x128xf32, #tpu.memory_space<hbm>>, %arg3: memref<32x80x128xi32, #tpu.memory_space<hbm>>, %arg4: memref<32x80x128xi32, #tpu.memory_space<hbm>>, %arg5: memref<10240x128xf32, #tpu.memory_space<hbm>>, %arg6: memref<2x10240x128xf32, #tpu.memory_space<hbm>>, %arg7: memref<2x8x128xi32, #tpu.memory_space<vmem>>, %arg8: memref<2x8x128xi32, #tpu.memory_space<vmem>>, %arg9: memref<2x128x128xf32, #tpu.memory_space<vmem>>, %arg10: memref<10240x128xf32, #tpu.memory_space<vmem_shared>>, %arg11: memref<2x!tpu.dma_semaphore, #tpu.memory_space<semaphore_mem>>) attributes {dimension_semantics = [#tpu.dimension_semantics<core_parallel>, #tpu.dimension_semantics<subcore_parallel>], iteration_bounds = array<i64: 2, 16>, scalar_prefetch = 0 : i64, scratch_operands = 5 : i64, tpu.core_type = #tpu.core_type<sc_vector_subcore>, window_params = [{transform_indices = #map}, {transform_indices = #map1}, {transform_indices = #map1}, {transform_indices = #map}, {transform_indices = #map1}]} {
    %mul3A = arith.constant 16 : i32
    %mul3A_0 = arith.muli %arg0, %mul3A : i32
    %add3A = arith.addi %mul3A_0, %arg1 : i32
    %mul3A_1 = arith.constant 640 : i32
    %mul3A_2 = arith.muli %arg1, %mul3A_1 : i32
    %eq3A = arith.constant 0 : i32
    %eq3A_3 = arith.cmpi eq, %arg0, %eq3A : i32
    %convert_element_type3A = arith.extui %eq3A_3 : i1 to i32
    %cond3A = arith.constant 0 : i32
    %cond3A_4 = arith.cmpi ne, %convert_element_type3A, %cond3A : i32
    scf.if %cond3A_4 {
      "tpu.region"() ({
        %run_scoped3A_31 = tpu.sem_alloc : memref<!tpu.dma_semaphore, #tpu.memory_space<semaphore_mem>>
        %dma_start3A_32 = arith.constant 0 : i32
        %dma_start3A_33 = tpu.memref_slice %arg10[%mul3A_2, %dma_start3A_32] : memref<10240x128xf32, #tpu.memory_space<vmem_shared>> -> memref<640x128xf32, #tpu.memory_space<vmem_shared>>
        %dma_start3A_34 = arith.constant 0 : i32
        %dma_start3A_35 = tpu.memref_slice %arg2[%mul3A_2, %dma_start3A_34] : memref<10240x128xf32, #tpu.memory_space<hbm>> -> memref<640x128xf32, #tpu.memory_space<hbm>>
        tpu.enqueue_dma source(%dma_start3A_35 : memref<640x128xf32, #tpu.memory_space<hbm>>) target(%dma_start3A_33 : memref<640x128xf32, #tpu.memory_space<vmem_shared>>) target_semaphore(%run_scoped3A_31 : memref<!tpu.dma_semaphore, #tpu.memory_space<semaphore_mem>>)
        %dma_wait3A = arith.constant 0 : i32
        %dma_wait3A_36 = tpu.memref_slice %arg10[%mul3A_2, %dma_wait3A] : memref<10240x128xf32, #tpu.memory_space<vmem_shared>> -> memref<640x128xf32, #tpu.memory_space<vmem_shared>>
        %dma_wait3A_37 = arith.constant 0 : i32
        %dma_wait3A_38 = tpu.memref_slice %arg2[%mul3A_2, %dma_wait3A_37] : memref<10240x128xf32, #tpu.memory_space<hbm>> -> memref<640x128xf32, #tpu.memory_space<hbm>>
        tpu.wait_dma2 semaphore(%run_scoped3A_31 : memref<!tpu.dma_semaphore, #tpu.memory_space<semaphore_mem>>) src(%dma_wait3A_38 : memref<640x128xf32, #tpu.memory_space<hbm>>) dst(%dma_wait3A_36 : memref<640x128xf32, #tpu.memory_space<vmem_shared>>)
        tpu.yield
      }) : () -> ()
    } else {
    }
    %ne3A = arith.constant 0 : i32
    %ne3A_5 = arith.cmpi ne, %arg0, %ne3A : i32
    %convert_element_type3A_6 = arith.extui %ne3A_5 : i1 to i32
    %cond3A_7 = arith.constant 0 : i32
    %cond3A_8 = arith.cmpi ne, %convert_element_type3A_6, %cond3A_7 : i32
    scf.if %cond3A_8 {
      "tpu.region"() ({
        %run_scoped3A_31 = tpu.sem_alloc : memref<!tpu.dma_semaphore, #tpu.memory_space<semaphore_mem>>
        %dma_start3A_32 = arith.constant 0 : i32
        %dma_start3A_33 = tpu.memref_slice %arg10[%mul3A_2, %dma_start3A_32] : memref<10240x128xf32, #tpu.memory_space<vmem_shared>> -> memref<640x128xf32, #tpu.memory_space<vmem_shared>>
        %dma_start3A_34 = arith.constant 0 : i32
        %dma_start3A_35 = tpu.memref_slice %arg5[%mul3A_2, %dma_start3A_34] : memref<10240x128xf32, #tpu.memory_space<hbm>> -> memref<640x128xf32, #tpu.memory_space<hbm>>
        tpu.enqueue_dma source(%dma_start3A_35 : memref<640x128xf32, #tpu.memory_space<hbm>>) target(%dma_start3A_33 : memref<640x128xf32, #tpu.memory_space<vmem_shared>>) target_semaphore(%run_scoped3A_31 : memref<!tpu.dma_semaphore, #tpu.memory_space<semaphore_mem>>)
        %dma_wait3A = arith.constant 0 : i32
        %dma_wait3A_36 = tpu.memref_slice %arg10[%mul3A_2, %dma_wait3A] : memref<10240x128xf32, #tpu.memory_space<vmem_shared>> -> memref<640x128xf32, #tpu.memory_space<vmem_shared>>
        %dma_wait3A_37 = arith.constant 0 : i32
        %dma_wait3A_38 = tpu.memref_slice %arg5[%mul3A_2, %dma_wait3A_37] : memref<10240x128xf32, #tpu.memory_space<hbm>> -> memref<640x128xf32, #tpu.memory_space<hbm>>
        tpu.wait_dma2 semaphore(%run_scoped3A_31 : memref<!tpu.dma_semaphore, #tpu.memory_space<semaphore_mem>>) src(%dma_wait3A_38 : memref<640x128xf32, #tpu.memory_space<hbm>>) dst(%dma_wait3A_36 : memref<640x128xf32, #tpu.memory_space<vmem_shared>>)
        tpu.yield
      }) : () -> ()
    } else {
    }
    %run_scoped3A = arith.constant 0 : i32
    "tpu.region"() ({
      %run_scoped3A_31 = tpu.sem_alloc : memref<!tpu.dma_semaphore, #tpu.memory_space<semaphore_mem>>
      %dma_start3A_32 = arith.constant 0 : i32
      %dma_start3A_33 = arith.constant 0 : i32
      %dma_start3A_34 = tpu.memref_slice %arg7[%run_scoped3A, %dma_start3A_32, %dma_start3A_33] : memref<2x8x128xi32, #tpu.memory_space<vmem>> -> memref<1x8x128xi32, #tpu.memory_space<vmem>>
      %dma_start3A_35 = tpu.memref_squeeze %dma_start3A_34 : memref<1x8x128xi32, #tpu.memory_space<vmem>> -> memref<8x128xi32, #tpu.memory_space<vmem>>
      %dma_start3A_36 = arith.constant 0 : i32
      %dma_start3A_37 = arith.constant 0 : i32
      %dma_start3A_38 = tpu.memref_slice %arg3[%add3A, %dma_start3A_36, %dma_start3A_37] : memref<32x80x128xi32, #tpu.memory_space<hbm>> -> memref<1x8x128xi32, #tpu.memory_space<hbm>>
      %dma_start3A_39 = tpu.memref_squeeze %dma_start3A_38 : memref<1x8x128xi32, #tpu.memory_space<hbm>> -> memref<8x128xi32, #tpu.memory_space<hbm>>
      %dma_start3A_40 = arith.constant 0 : i32
      %dma_start3A_41 = arith.constant 0 : i32
      %dma_start3A_42 = tpu.memref_slice %arg7[%run_scoped3A, %dma_start3A_40, %dma_start3A_41] : memref<2x8x128xi32, #tpu.memory_space<vmem>> -> memref<1x8x128xi32, #tpu.memory_space<vmem>>
      %dma_start3A_43 = tpu.memref_squeeze %dma_start3A_42 : memref<1x8x128xi32, #tpu.memory_space<vmem>> -> memref<8x128xi32, #tpu.memory_space<vmem>>
      %dma_start3A_44 = arith.constant 0 : i32
      %dma_start3A_45 = arith.constant 0 : i32
      %dma_start3A_46 = tpu.memref_slice %arg3[%add3A, %dma_start3A_44, %dma_start3A_45] : memref<32x80x128xi32, #tpu.memory_space<hbm>> -> memref<1x8x128xi32, #tpu.memory_space<hbm>>
      %dma_start3A_47 = tpu.memref_squeeze %dma_start3A_46 : memref<1x8x128xi32, #tpu.memory_space<hbm>> -> memref<8x128xi32, #tpu.memory_space<hbm>>
      tpu.enqueue_dma source(%dma_start3A_47 : memref<8x128xi32, #tpu.memory_space<hbm>>) target(%dma_start3A_43 : memref<8x128xi32, #tpu.memory_space<vmem>>) target_semaphore(%run_scoped3A_31 : memref<!tpu.dma_semaphore, #tpu.memory_space<semaphore_mem>>)
      %dma_wait3A = arith.constant 0 : i32
      %dma_wait3A_48 = arith.constant 0 : i32
      %dma_wait3A_49 = tpu.memref_slice %arg7[%run_scoped3A, %dma_wait3A, %dma_wait3A_48] : memref<2x8x128xi32, #tpu.memory_space<vmem>> -> memref<1x8x128xi32, #tpu.memory_space<vmem>>
      %dma_wait3A_50 = tpu.memref_squeeze %dma_wait3A_49 : memref<1x8x128xi32, #tpu.memory_space<vmem>> -> memref<8x128xi32, #tpu.memory_space<vmem>>
      %dma_wait3A_51 = arith.constant 0 : i32
      %dma_wait3A_52 = arith.constant 0 : i32
      %dma_wait3A_53 = tpu.memref_slice %arg3[%add3A, %dma_wait3A_51, %dma_wait3A_52] : memref<32x80x128xi32, #tpu.memory_space<hbm>> -> memref<1x8x128xi32, #tpu.memory_space<hbm>>
      %dma_wait3A_54 = tpu.memref_squeeze %dma_wait3A_53 : memref<1x8x128xi32, #tpu.memory_space<hbm>> -> memref<8x128xi32, #tpu.memory_space<hbm>>
      %dma_wait3A_55 = arith.constant 0 : i32
      %dma_wait3A_56 = arith.constant 0 : i32
      %dma_wait3A_57 = tpu.memref_slice %arg7[%run_scoped3A, %dma_wait3A_55, %dma_wait3A_56] : memref<2x8x128xi32, #tpu.memory_space<vmem>> -> memref<1x8x128xi32, #tpu.memory_space<vmem>>
      %dma_wait3A_58 = tpu.memref_squeeze %dma_wait3A_57 : memref<1x8x128xi32, #tpu.memory_space<vmem>> -> memref<8x128xi32, #tpu.memory_space<vmem>>
      %dma_wait3A_59 = arith.constant 0 : i32
      %dma_wait3A_60 = arith.constant 0 : i32
      %dma_wait3A_61 = tpu.memref_slice %arg3[%add3A, %dma_wait3A_59, %dma_wait3A_60] : memref<32x80x128xi32, #tpu.memory_space<hbm>> -> memref<1x8x128xi32, #tpu.memory_space<hbm>>
      %dma_wait3A_62 = tpu.memref_squeeze %dma_wait3A_61 : memref<1x8x128xi32, #tpu.memory_space<hbm>> -> memref<8x128xi32, #tpu.memory_space<hbm>>
      tpu.wait_dma2 semaphore(%run_scoped3A_31 : memref<!tpu.dma_semaphore, #tpu.memory_space<semaphore_mem>>) src(%dma_wait3A_62 : memref<8x128xi32, #tpu.memory_space<hbm>>) dst(%dma_wait3A_58 : memref<8x128xi32, #tpu.memory_space<vmem>>)
      tpu.yield
    }) : () -> ()
    %run_scoped3A_9 = arith.constant 0 : i32
    "tpu.region"() ({
      %run_scoped3A_31 = tpu.sem_alloc : memref<!tpu.dma_semaphore, #tpu.memory_space<semaphore_mem>>
      %dma_start3A_32 = arith.constant 0 : i32
      %dma_start3A_33 = arith.constant 0 : i32
      %dma_start3A_34 = tpu.memref_slice %arg8[%run_scoped3A_9, %dma_start3A_32, %dma_start3A_33] : memref<2x8x128xi32, #tpu.memory_space<vmem>> -> memref<1x8x128xi32, #tpu.memory_space<vmem>>
      %dma_start3A_35 = tpu.memref_squeeze %dma_start3A_34 : memref<1x8x128xi32, #tpu.memory_space<vmem>> -> memref<8x128xi32, #tpu.memory_space<vmem>>
      %dma_start3A_36 = arith.constant 0 : i32
      %dma_start3A_37 = arith.constant 0 : i32
      %dma_start3A_38 = tpu.memref_slice %arg4[%add3A, %dma_start3A_36, %dma_start3A_37] : memref<32x80x128xi32, #tpu.memory_space<hbm>> -> memref<1x8x128xi32, #tpu.memory_space<hbm>>
      %dma_start3A_39 = tpu.memref_squeeze %dma_start3A_38 : memref<1x8x128xi32, #tpu.memory_space<hbm>> -> memref<8x128xi32, #tpu.memory_space<hbm>>
      %dma_start3A_40 = arith.constant 0 : i32
      %dma_start3A_41 = arith.constant 0 : i32
      %dma_start3A_42 = tpu.memref_slice %arg8[%run_scoped3A_9, %dma_start3A_40, %dma_start3A_41] : memref<2x8x128xi32, #tpu.memory_space<vmem>> -> memref<1x8x128xi32, #tpu.memory_space<vmem>>
      %dma_start3A_43 = tpu.memref_squeeze %dma_start3A_42 : memref<1x8x128xi32, #tpu.memory_space<vmem>> -> memref<8x128xi32, #tpu.memory_space<vmem>>
      %dma_start3A_44 = arith.constant 0 : i32
      %dma_start3A_45 = arith.constant 0 : i32
      %dma_start3A_46 = tpu.memref_slice %arg4[%add3A, %dma_start3A_44, %dma_start3A_45] : memref<32x80x128xi32, #tpu.memory_space<hbm>> -> memref<1x8x128xi32, #tpu.memory_space<hbm>>
      %dma_start3A_47 = tpu.memref_squeeze %dma_start3A_46 : memref<1x8x128xi32, #tpu.memory_space<hbm>> -> memref<8x128xi32, #tpu.memory_space<hbm>>
      tpu.enqueue_dma source(%dma_start3A_47 : memref<8x128xi32, #tpu.memory_space<hbm>>) target(%dma_start3A_43 : memref<8x128xi32, #tpu.memory_space<vmem>>) target_semaphore(%run_scoped3A_31 : memref<!tpu.dma_semaphore, #tpu.memory_space<semaphore_mem>>)
      %dma_wait3A = arith.constant 0 : i32
      %dma_wait3A_48 = arith.constant 0 : i32
      %dma_wait3A_49 = tpu.memref_slice %arg8[%run_scoped3A_9, %dma_wait3A, %dma_wait3A_48] : memref<2x8x128xi32, #tpu.memory_space<vmem>> -> memref<1x8x128xi32, #tpu.memory_space<vmem>>
      %dma_wait3A_50 = tpu.memref_squeeze %dma_wait3A_49 : memref<1x8x128xi32, #tpu.memory_space<vmem>> -> memref<8x128xi32, #tpu.memory_space<vmem>>
      %dma_wait3A_51 = arith.constant 0 : i32
      %dma_wait3A_52 = arith.constant 0 : i32
      %dma_wait3A_53 = tpu.memref_slice %arg4[%add3A, %dma_wait3A_51, %dma_wait3A_52] : memref<32x80x128xi32, #tpu.memory_space<hbm>> -> memref<1x8x128xi32, #tpu.memory_space<hbm>>
      %dma_wait3A_54 = tpu.memref_squeeze %dma_wait3A_53 : memref<1x8x128xi32, #tpu.memory_space<hbm>> -> memref<8x128xi32, #tpu.memory_space<hbm>>
      %dma_wait3A_55 = arith.constant 0 : i32
      %dma_wait3A_56 = arith.constant 0 : i32
      %dma_wait3A_57 = tpu.memref_slice %arg8[%run_scoped3A_9, %dma_wait3A_55, %dma_wait3A_56] : memref<2x8x128xi32, #tpu.memory_space<vmem>> -> memref<1x8x128xi32, #tpu.memory_space<vmem>>
      %dma_wait3A_58 = tpu.memref_squeeze %dma_wait3A_57 : memref<1x8x128xi32, #tpu.memory_space<vmem>> -> memref<8x128xi32, #tpu.memory_space<vmem>>
      %dma_wait3A_59 = arith.constant 0 : i32
      %dma_wait3A_60 = arith.constant 0 : i32
      %dma_wait3A_61 = tpu.memref_slice %arg4[%add3A, %dma_wait3A_59, %dma_wait3A_60] : memref<32x80x128xi32, #tpu.memory_space<hbm>> -> memref<1x8x128xi32, #tpu.memory_space<hbm>>
      %dma_wait3A_62 = tpu.memref_squeeze %dma_wait3A_61 : memref<1x8x128xi32, #tpu.memory_space<hbm>> -> memref<8x128xi32, #tpu.memory_space<hbm>>
      tpu.wait_dma2 semaphore(%run_scoped3A_31 : memref<!tpu.dma_semaphore, #tpu.memory_space<semaphore_mem>>) src(%dma_wait3A_62 : memref<8x128xi32, #tpu.memory_space<hbm>>) dst(%dma_wait3A_58 : memref<8x128xi32, #tpu.memory_space<vmem>>)
      tpu.yield
    }) : () -> ()
    %barrier3A = arith.constant 0 : index
    tpu.barrier barrier_id(%barrier3A)
    %dma_start3A = arith.constant 0 : i32
    %dma_start3A_10 = arith.constant 0 : i32
    %dma_start3A_11 = arith.constant 0 : i32
    %dma_start3A_12 = arith.constant 0 : i32
    %dma_start3A_13 = arith.constant 0 : i32
    %dma_start3A_14 = arith.constant 0 : i32
    %dma_start3A_15 = tpu.memref_slice %arg9[%dma_start3A_11, %dma_start3A_13, %dma_start3A_14] : memref<2x128x128xf32, #tpu.memory_space<vmem>> -> memref<1x128x128xf32, #tpu.memory_space<vmem>>
    %dma_start3A_16 = tpu.memref_squeeze %dma_start3A_15 : memref<1x128x128xf32, #tpu.memory_space<vmem>> -> memref<128x128xf32, #tpu.memory_space<vmem>>
    %dma_start3A_17 = arith.constant 0 : i32
    %dma_start3A_18 = tpu.memref_slice %arg7[%dma_start3A, %dma_start3A_10, %dma_start3A_17] : memref<2x8x128xi32, #tpu.memory_space<vmem>> -> memref<1x1x128xi32, #tpu.memory_space<vmem>>
    %dma_start3A_19 = tpu.memref_squeeze %dma_start3A_18 : memref<1x1x128xi32, #tpu.memory_space<vmem>> -> memref<128xi32, #tpu.memory_space<vmem>>
    %dma_start3A_20 = arith.constant 0 : i32
    %dma_start3A_21 = arith.constant 0 : i32
    %dma_start3A_22 = tpu.memref_slice %arg2[%dma_start3A_20, %dma_start3A_21] : memref<10240x128xf32, #tpu.memory_space<hbm>> -> memref<10240x128xf32, #tpu.memory_space<hbm>>
    %dma_start3A_23 = tpu.memref_slice %arg11[%dma_start3A_12] : memref<2x!tpu.dma_semaphore, #tpu.memory_space<semaphore_mem>> -> memref<1x!tpu.dma_semaphore, #tpu.memory_space<semaphore_mem>>
    %dma_start3A_24 = tpu.memref_squeeze %dma_start3A_23 : memref<1x!tpu.dma_semaphore, #tpu.memory_space<semaphore_mem>> -> memref<!tpu.dma_semaphore, #tpu.memory_space<semaphore_mem>>
    tpu.enqueue_indirect_dma source(%dma_start3A_22 : memref<10240x128xf32, #tpu.memory_space<hbm>>) target(%dma_start3A_16 : memref<128x128xf32, #tpu.memory_space<vmem>>) offsets(%dma_start3A_19 : memref<128xi32, #tpu.memory_space<vmem>>) semaphore(%dma_start3A_24 : memref<!tpu.dma_semaphore, #tpu.memory_space<semaphore_mem>>)
    %scan3A = arith.constant 0 : i32
    %scan3A_25 = arith.constant 0 : i32
    %scan3A_26 = arith.constant 10 : i32
    %scan3A_27 = arith.addi %scan3A_25, %scan3A_26 : i32
    %scan3A_28 = arith.constant 1 : i32
    scf.for %scan3A_31 = %scan3A_25 to %scan3A_27 step %scan3A_28  : i32 {
      %add3A_32 = arith.constant 1 : i32
      %add3A_33 = arith.addi %scan3A_31, %add3A_32 : i32
      %lt3A = arith.constant 10 : i32
      %lt3A_34 = arith.cmpi slt, %add3A_33, %lt3A : i32
      %convert_element_type3A_35 = arith.extui %lt3A_34 : i1 to i32
      %cond3A_36 = arith.constant 0 : i32
      %cond3A_37 = arith.cmpi ne, %convert_element_type3A_35, %cond3A_36 : i32
      scf.if %cond3A_37 {
        %add3A_44 = arith.constant 1 : i32
        %add3A_45 = arith.addi %scan3A_31, %add3A_44 : i32
        %mul3A_46 = arith.constant 8 : i32
        %mul3A_47 = arith.muli %add3A_45, %mul3A_46 : i32
        %add3A_48 = arith.constant 1 : i32
        %add3A_49 = arith.addi %scan3A_31, %add3A_48 : i32
        %rem3A = arith.constant 2 : i32
        %rem3A_50 = arith.remsi %add3A_49, %rem3A : i32
        "tpu.region"() ({
          %run_scoped3A_59 = tpu.sem_alloc : memref<!tpu.dma_semaphore, #tpu.memory_space<semaphore_mem>>
          %dma_start3A_60 = arith.constant 0 : i32
          %dma_start3A_61 = arith.constant 0 : i32
          %dma_start3A_62 = tpu.memref_slice %arg7[%rem3A_50, %dma_start3A_60, %dma_start3A_61] : memref<2x8x128xi32, #tpu.memory_space<vmem>> -> memref<1x8x128xi32, #tpu.memory_space<vmem>>
          %dma_start3A_63 = tpu.memref_squeeze %dma_start3A_62 : memref<1x8x128xi32, #tpu.memory_space<vmem>> -> memref<8x128xi32, #tpu.memory_space<vmem>>
          %dma_start3A_64 = arith.constant 0 : i32
          %dma_start3A_65 = tpu.memref_slice %arg3[%add3A, %mul3A_47, %dma_start3A_64] : memref<32x80x128xi32, #tpu.memory_space<hbm>> -> memref<1x8x128xi32, #tpu.memory_space<hbm>>
          %dma_start3A_66 = tpu.memref_squeeze %dma_start3A_65 : memref<1x8x128xi32, #tpu.memory_space<hbm>> -> memref<8x128xi32, #tpu.memory_space<hbm>>
          %dma_start3A_67 = arith.constant 0 : i32
          %dma_start3A_68 = arith.constant 0 : i32
          %dma_start3A_69 = tpu.memref_slice %arg7[%rem3A_50, %dma_start3A_67, %dma_start3A_68] : memref<2x8x128xi32, #tpu.memory_space<vmem>> -> memref<1x8x128xi32, #tpu.memory_space<vmem>>
          %dma_start3A_70 = tpu.memref_squeeze %dma_start3A_69 : memref<1x8x128xi32, #tpu.memory_space<vmem>> -> memref<8x128xi32, #tpu.memory_space<vmem>>
          %dma_start3A_71 = arith.constant 0 : i32
          %dma_start3A_72 = tpu.memref_slice %arg3[%add3A, %mul3A_47, %dma_start3A_71] : memref<32x80x128xi32, #tpu.memory_space<hbm>> -> memref<1x8x128xi32, #tpu.memory_space<hbm>>
          %dma_start3A_73 = tpu.memref_squeeze %dma_start3A_72 : memref<1x8x128xi32, #tpu.memory_space<hbm>> -> memref<8x128xi32, #tpu.memory_space<hbm>>
          tpu.enqueue_dma source(%dma_start3A_73 : memref<8x128xi32, #tpu.memory_space<hbm>>) target(%dma_start3A_70 : memref<8x128xi32, #tpu.memory_space<vmem>>) target_semaphore(%run_scoped3A_59 : memref<!tpu.dma_semaphore, #tpu.memory_space<semaphore_mem>>)
          %dma_wait3A = arith.constant 0 : i32
          %dma_wait3A_74 = arith.constant 0 : i32
          %dma_wait3A_75 = tpu.memref_slice %arg7[%rem3A_50, %dma_wait3A, %dma_wait3A_74] : memref<2x8x128xi32, #tpu.memory_space<vmem>> -> memref<1x8x128xi32, #tpu.memory_space<vmem>>
          %dma_wait3A_76 = tpu.memref_squeeze %dma_wait3A_75 : memref<1x8x128xi32, #tpu.memory_space<vmem>> -> memref<8x128xi32, #tpu.memory_space<vmem>>
          %dma_wait3A_77 = arith.constant 0 : i32
          %dma_wait3A_78 = tpu.memref_slice %arg3[%add3A, %mul3A_47, %dma_wait3A_77] : memref<32x80x128xi32, #tpu.memory_space<hbm>> -> memref<1x8x128xi32, #tpu.memory_space<hbm>>
          %dma_wait3A_79 = tpu.memref_squeeze %dma_wait3A_78 : memref<1x8x128xi32, #tpu.memory_space<hbm>> -> memref<8x128xi32, #tpu.memory_space<hbm>>
          %dma_wait3A_80 = arith.constant 0 : i32
          %dma_wait3A_81 = arith.constant 0 : i32
          %dma_wait3A_82 = tpu.memref_slice %arg7[%rem3A_50, %dma_wait3A_80, %dma_wait3A_81] : memref<2x8x128xi32, #tpu.memory_space<vmem>> -> memref<1x8x128xi32, #tpu.memory_space<vmem>>
          %dma_wait3A_83 = tpu.memref_squeeze %dma_wait3A_82 : memref<1x8x128xi32, #tpu.memory_space<vmem>> -> memref<8x128xi32, #tpu.memory_space<vmem>>
          %dma_wait3A_84 = arith.constant 0 : i32
          %dma_wait3A_85 = tpu.memref_slice %arg3[%add3A, %mul3A_47, %dma_wait3A_84] : memref<32x80x128xi32, #tpu.memory_space<hbm>> -> memref<1x8x128xi32, #tpu.memory_space<hbm>>
          %dma_wait3A_86 = tpu.memref_squeeze %dma_wait3A_85 : memref<1x8x128xi32, #tpu.memory_space<hbm>> -> memref<8x128xi32, #tpu.memory_space<hbm>>
          tpu.wait_dma2 semaphore(%run_scoped3A_59 : memref<!tpu.dma_semaphore, #tpu.memory_space<semaphore_mem>>) src(%dma_wait3A_86 : memref<8x128xi32, #tpu.memory_space<hbm>>) dst(%dma_wait3A_83 : memref<8x128xi32, #tpu.memory_space<vmem>>)
          tpu.yield
        }) : () -> ()
        %add3A_51 = arith.constant 1 : i32
        %add3A_52 = arith.addi %scan3A_31, %add3A_51 : i32
        %mul3A_53 = arith.constant 8 : i32
        %mul3A_54 = arith.muli %add3A_52, %mul3A_53 : i32
        %add3A_55 = arith.constant 1 : i32
        %add3A_56 = arith.addi %scan3A_31, %add3A_55 : i32
        %rem3A_57 = arith.constant 2 : i32
        %rem3A_58 = arith.remsi %add3A_56, %rem3A_57 : i32
        "tpu.region"() ({
          %run_scoped3A_59 = tpu.sem_alloc : memref<!tpu.dma_semaphore, #tpu.memory_space<semaphore_mem>>
          %dma_start3A_60 = arith.constant 0 : i32
          %dma_start3A_61 = arith.constant 0 : i32
          %dma_start3A_62 = tpu.memref_slice %arg8[%rem3A_58, %dma_start3A_60, %dma_start3A_61] : memref<2x8x128xi32, #tpu.memory_space<vmem>> -> memref<1x8x128xi32, #tpu.memory_space<vmem>>
          %dma_start3A_63 = tpu.memref_squeeze %dma_start3A_62 : memref<1x8x128xi32, #tpu.memory_space<vmem>> -> memref<8x128xi32, #tpu.memory_space<vmem>>
          %dma_start3A_64 = arith.constant 0 : i32
          %dma_start3A_65 = tpu.memref_slice %arg4[%add3A, %mul3A_54, %dma_start3A_64] : memref<32x80x128xi32, #tpu.memory_space<hbm>> -> memref<1x8x128xi32, #tpu.memory_space<hbm>>
          %dma_start3A_66 = tpu.memref_squeeze %dma_start3A_65 : memref<1x8x128xi32, #tpu.memory_space<hbm>> -> memref<8x128xi32, #tpu.memory_space<hbm>>
          %dma_start3A_67 = arith.constant 0 : i32
          %dma_start3A_68 = arith.constant 0 : i32
          %dma_start3A_69 = tpu.memref_slice %arg8[%rem3A_58, %dma_start3A_67, %dma_start3A_68] : memref<2x8x128xi32, #tpu.memory_space<vmem>> -> memref<1x8x128xi32, #tpu.memory_space<vmem>>
          %dma_start3A_70 = tpu.memref_squeeze %dma_start3A_69 : memref<1x8x128xi32, #tpu.memory_space<vmem>> -> memref<8x128xi32, #tpu.memory_space<vmem>>
          %dma_start3A_71 = arith.constant 0 : i32
          %dma_start3A_72 = tpu.memref_slice %arg4[%add3A, %mul3A_54, %dma_start3A_71] : memref<32x80x128xi32, #tpu.memory_space<hbm>> -> memref<1x8x128xi32, #tpu.memory_space<hbm>>
          %dma_start3A_73 = tpu.memref_squeeze %dma_start3A_72 : memref<1x8x128xi32, #tpu.memory_space<hbm>> -> memref<8x128xi32, #tpu.memory_space<hbm>>
          tpu.enqueue_dma source(%dma_start3A_73 : memref<8x128xi32, #tpu.memory_space<hbm>>) target(%dma_start3A_70 : memref<8x128xi32, #tpu.memory_space<vmem>>) target_semaphore(%run_scoped3A_59 : memref<!tpu.dma_semaphore, #tpu.memory_space<semaphore_mem>>)
          %dma_wait3A = arith.constant 0 : i32
          %dma_wait3A_74 = arith.constant 0 : i32
          %dma_wait3A_75 = tpu.memref_slice %arg8[%rem3A_58, %dma_wait3A, %dma_wait3A_74] : memref<2x8x128xi32, #tpu.memory_space<vmem>> -> memref<1x8x128xi32, #tpu.memory_space<vmem>>
          %dma_wait3A_76 = tpu.memref_squeeze %dma_wait3A_75 : memref<1x8x128xi32, #tpu.memory_space<vmem>> -> memref<8x128xi32, #tpu.memory_space<vmem>>
          %dma_wait3A_77 = arith.constant 0 : i32
          %dma_wait3A_78 = tpu.memref_slice %arg4[%add3A, %mul3A_54, %dma_wait3A_77] : memref<32x80x128xi32, #tpu.memory_space<hbm>> -> memref<1x8x128xi32, #tpu.memory_space<hbm>>
          %dma_wait3A_79 = tpu.memref_squeeze %dma_wait3A_78 : memref<1x8x128xi32, #tpu.memory_space<hbm>> -> memref<8x128xi32, #tpu.memory_space<hbm>>
          %dma_wait3A_80 = arith.constant 0 : i32
          %dma_wait3A_81 = arith.constant 0 : i32
          %dma_wait3A_82 = tpu.memref_slice %arg8[%rem3A_58, %dma_wait3A_80, %dma_wait3A_81] : memref<2x8x128xi32, #tpu.memory_space<vmem>> -> memref<1x8x128xi32, #tpu.memory_space<vmem>>
          %dma_wait3A_83 = tpu.memref_squeeze %dma_wait3A_82 : memref<1x8x128xi32, #tpu.memory_space<vmem>> -> memref<8x128xi32, #tpu.memory_space<vmem>>
          %dma_wait3A_84 = arith.constant 0 : i32
          %dma_wait3A_85 = tpu.memref_slice %arg4[%add3A, %mul3A_54, %dma_wait3A_84] : memref<32x80x128xi32, #tpu.memory_space<hbm>> -> memref<1x8x128xi32, #tpu.memory_space<hbm>>
          %dma_wait3A_86 = tpu.memref_squeeze %dma_wait3A_85 : memref<1x8x128xi32, #tpu.memory_space<hbm>> -> memref<8x128xi32, #tpu.memory_space<hbm>>
          tpu.wait_dma2 semaphore(%run_scoped3A_59 : memref<!tpu.dma_semaphore, #tpu.memory_space<semaphore_mem>>) src(%dma_wait3A_86 : memref<8x128xi32, #tpu.memory_space<hbm>>) dst(%dma_wait3A_83 : memref<8x128xi32, #tpu.memory_space<vmem>>)
          tpu.yield
        }) : () -> ()
      } else {
      }
      %scan3A_38 = arith.constant 0 : i32
      %scan3A_39 = arith.constant 0 : i32
      %scan3A_40 = arith.constant 8 : i32
      %scan3A_41 = arith.addi %scan3A_39, %scan3A_40 : i32
      %scan3A_42 = arith.constant 1 : i32
      scf.for %scan3A_44 = %scan3A_39 to %scan3A_41 step %scan3A_42  : i32 {
        %mul3A_45 = arith.constant 8 : i32
        %mul3A_46 = arith.muli %scan3A_31, %mul3A_45 : i32
        %add3A_47 = arith.addi %mul3A_46, %scan3A_44 : i32
        %add3A_48 = arith.constant 1 : i32
        %add3A_49 = arith.addi %add3A_47, %add3A_48 : i32
        %lt3A_50 = arith.constant 80 : i32
        %lt3A_51 = arith.cmpi slt, %add3A_49, %lt3A_50 : i32
        %convert_element_type3A_52 = arith.extui %lt3A_51 : i1 to i32
        %cond3A_53 = arith.constant 0 : i32
        %cond3A_54 = arith.cmpi ne, %convert_element_type3A_52, %cond3A_53 : i32
        scf.if %cond3A_54 {
          %jit3A = arith.constant 8 : i32
          %div3A = arith.divsi %add3A_49, %jit3A : i32
          %sign3A = arith.constant 0 : i32
          %sign3A_71 = arith.cmpi sgt, %add3A_49, %sign3A : i32
          %sign3A_72 = arith.extui %sign3A_71 : i1 to i32
          %sign3A_73 = arith.constant 0 : i32
          %sign3A_74 = arith.cmpi slt, %add3A_49, %sign3A_73 : i32
          %sign3A_75 = arith.extui %sign3A_74 : i1 to i32
          %sign3A_76 = arith.subi %sign3A_72, %sign3A_75 : i32
          %sign3A_77 = arith.constant 0 : i32
          %sign3A_78 = arith.cmpi sgt, %jit3A, %sign3A_77 : i32
          %sign3A_79 = arith.extui %sign3A_78 : i1 to i32
          %sign3A_80 = arith.constant 0 : i32
          %sign3A_81 = arith.cmpi slt, %jit3A, %sign3A_80 : i32
          %sign3A_82 = arith.extui %sign3A_81 : i1 to i32
          %sign3A_83 = arith.subi %sign3A_79, %sign3A_82 : i32
          %ne3A_84 = arith.cmpi ne, %sign3A_76, %sign3A_83 : i32
          %rem3A_85 = arith.remsi %add3A_49, %jit3A : i32
          %ne3A_86 = arith.constant 0 : i32
          %ne3A_87 = arith.cmpi ne, %rem3A_85, %ne3A_86 : i32
          %and3A = arith.andi %ne3A_84, %ne3A_87 : i1
          %sub3A = arith.constant 1 : i32
          %sub3A_88 = arith.subi %div3A, %sub3A : i32
          %select_n3A = arith.select %and3A, %sub3A_88, %div3A : i32
          %rem3A_89 = arith.constant 2 : i32
          %rem3A_90 = arith.remsi %select_n3A, %rem3A_89 : i32
          %rem3A_91 = arith.constant 8 : i32
          %rem3A_92 = arith.remsi %add3A_49, %rem3A_91 : i32
          %rem3A_93 = arith.constant 2 : i32
          %rem3A_94 = arith.remsi %add3A_49, %rem3A_93 : i32
          %rem3A_95 = arith.constant 2 : i32
          %rem3A_96 = arith.remsi %add3A_49, %rem3A_95 : i32
          %dma_start3A_97 = arith.constant 0 : i32
          %dma_start3A_98 = arith.constant 0 : i32
          %dma_start3A_99 = tpu.memref_slice %arg9[%rem3A_94, %dma_start3A_97, %dma_start3A_98] : memref<2x128x128xf32, #tpu.memory_space<vmem>> -> memref<1x128x128xf32, #tpu.memory_space<vmem>>
          %dma_start3A_100 = tpu.memref_squeeze %dma_start3A_99 : memref<1x128x128xf32, #tpu.memory_space<vmem>> -> memref<128x128xf32, #tpu.memory_space<vmem>>
          %dma_start3A_101 = arith.constant 0 : i32
          %dma_start3A_102 = tpu.memref_slice %arg7[%rem3A_90, %rem3A_92, %dma_start3A_101] : memref<2x8x128xi32, #tpu.memory_space<vmem>> -> memref<1x1x128xi32, #tpu.memory_space<vmem>>
          %dma_start3A_103 = tpu.memref_squeeze %dma_start3A_102 : memref<1x1x128xi32, #tpu.memory_space<vmem>> -> memref<128xi32, #tpu.memory_space<vmem>>
          %dma_start3A_104 = arith.constant 0 : i32
          %dma_start3A_105 = arith.constant 0 : i32
          %dma_start3A_106 = tpu.memref_slice %arg2[%dma_start3A_104, %dma_start3A_105] : memref<10240x128xf32, #tpu.memory_space<hbm>> -> memref<10240x128xf32, #tpu.memory_space<hbm>>
          %dma_start3A_107 = tpu.memref_slice %arg11[%rem3A_96] : memref<2x!tpu.dma_semaphore, #tpu.memory_space<semaphore_mem>> -> memref<1x!tpu.dma_semaphore, #tpu.memory_space<semaphore_mem>>
          %dma_start3A_108 = tpu.memref_squeeze %dma_start3A_107 : memref<1x!tpu.dma_semaphore, #tpu.memory_space<semaphore_mem>> -> memref<!tpu.dma_semaphore, #tpu.memory_space<semaphore_mem>>
          tpu.enqueue_indirect_dma source(%dma_start3A_106 : memref<10240x128xf32, #tpu.memory_space<hbm>>) target(%dma_start3A_100 : memref<128x128xf32, #tpu.memory_space<vmem>>) offsets(%dma_start3A_103 : memref<128xi32, #tpu.memory_space<vmem>>) semaphore(%dma_start3A_108 : memref<!tpu.dma_semaphore, #tpu.memory_space<semaphore_mem>>)
        } else {
        }
        %rem3A = arith.constant 2 : i32
        %rem3A_55 = arith.remsi %add3A_47, %rem3A : i32
        %dma_wait3A = arith.constant 0 : i32
        %dma_wait3A_56 = arith.constant 0 : i32
        %dma_wait3A_57 = arith.constant 0 : i32
        %dma_wait3A_58 = arith.constant 0 : i32
        %dma_wait3A_59 = tpu.memref_slice %arg9[%rem3A_55, %dma_wait3A_57, %dma_wait3A_58] : memref<2x128x128xf32, #tpu.memory_space<vmem>> -> memref<1x128x128xf32, #tpu.memory_space<vmem>>
        %dma_wait3A_60 = tpu.memref_squeeze %dma_wait3A_59 : memref<1x128x128xf32, #tpu.memory_space<vmem>> -> memref<128x128xf32, #tpu.memory_space<vmem>>
        %dma_wait3A_61 = arith.constant 0 : i32
        %dma_wait3A_62 = tpu.memref_slice %arg7[%dma_wait3A, %dma_wait3A_56, %dma_wait3A_61] : memref<2x8x128xi32, #tpu.memory_space<vmem>> -> memref<1x1x128xi32, #tpu.memory_space<vmem>>
        %dma_wait3A_63 = tpu.memref_squeeze %dma_wait3A_62 : memref<1x1x128xi32, #tpu.memory_space<vmem>> -> memref<128xi32, #tpu.memory_space<vmem>>
        %dma_wait3A_64 = arith.constant 0 : i32
        %dma_wait3A_65 = arith.constant 0 : i32
        %dma_wait3A_66 = tpu.memref_slice %arg2[%dma_wait3A_64, %dma_wait3A_65] : memref<10240x128xf32, #tpu.memory_space<hbm>> -> memref<10240x128xf32, #tpu.memory_space<hbm>>
        %dma_wait3A_67 = tpu.memref_slice %arg11[%rem3A_55] : memref<2x!tpu.dma_semaphore, #tpu.memory_space<semaphore_mem>> -> memref<1x!tpu.dma_semaphore, #tpu.memory_space<semaphore_mem>>
        %dma_wait3A_68 = tpu.memref_squeeze %dma_wait3A_67 : memref<1x!tpu.dma_semaphore, #tpu.memory_space<semaphore_mem>> -> memref<!tpu.dma_semaphore, #tpu.memory_space<semaphore_mem>>
        tpu.wait_indirect_dma semaphore(%dma_wait3A_68 : memref<!tpu.dma_semaphore, #tpu.memory_space<semaphore_mem>>) src(%dma_wait3A_66 : memref<10240x128xf32, #tpu.memory_space<hbm>>) dst(%dma_wait3A_60 : memref<128x128xf32, #tpu.memory_space<vmem>>)
        %rem3A_69 = arith.constant 2 : i32
        %rem3A_70 = arith.remsi %scan3A_31, %rem3A_69 : i32
        "tpu.region"() ({
          %run_scoped3A_71 = tpu.sem_alloc : memref<!tpu.dma_semaphore, #tpu.memory_space<semaphore_mem>>
          %dma_start3A_72 = arith.constant 0 : i32
          %dma_start3A_73 = arith.constant 0 : i32
          %dma_start3A_74 = tpu.memref_slice %arg9[%rem3A_55, %dma_start3A_72, %dma_start3A_73] : memref<2x128x128xf32, #tpu.memory_space<vmem>> -> memref<1x128x128xf32, #tpu.memory_space<vmem>>
          %dma_start3A_75 = tpu.memref_squeeze %dma_start3A_74 : memref<1x128x128xf32, #tpu.memory_space<vmem>> -> memref<128x128xf32, #tpu.memory_space<vmem>>
          %dma_start3A_76 = arith.constant 0 : i32
          %dma_start3A_77 = tpu.memref_slice %arg8[%rem3A_70, %scan3A_44, %dma_start3A_76] : memref<2x8x128xi32, #tpu.memory_space<vmem>> -> memref<1x1x128xi32, #tpu.memory_space<vmem>>
          %dma_start3A_78 = tpu.memref_squeeze %dma_start3A_77 : memref<1x1x128xi32, #tpu.memory_space<vmem>> -> memref<128xi32, #tpu.memory_space<vmem>>
          %dma_start3A_79 = arith.constant 0 : i32
          %dma_start3A_80 = arith.constant 0 : i32
          %dma_start3A_81 = tpu.memref_slice %arg10[%dma_start3A_79, %dma_start3A_80] : memref<10240x128xf32, #tpu.memory_space<vmem_shared>> -> memref<10240x128xf32, #tpu.memory_space<vmem_shared>>
          tpu.enqueue_indirect_dma source(%dma_start3A_75 : memref<128x128xf32, #tpu.memory_space<vmem>>) target(%dma_start3A_81 : memref<10240x128xf32, #tpu.memory_space<vmem_shared>>) offsets(%dma_start3A_78 : memref<128xi32, #tpu.memory_space<vmem>>) semaphore(%run_scoped3A_71 : memref<!tpu.dma_semaphore, #tpu.memory_space<semaphore_mem>>) {add = true}
          %dma_wait3A_82 = arith.constant 0 : i32
          %dma_wait3A_83 = arith.constant 0 : i32
          %dma_wait3A_84 = tpu.memref_slice %arg9[%rem3A_55, %dma_wait3A_82, %dma_wait3A_83] : memref<2x128x128xf32, #tpu.memory_space<vmem>> -> memref<1x128x128xf32, #tpu.memory_space<vmem>>
          %dma_wait3A_85 = tpu.memref_squeeze %dma_wait3A_84 : memref<1x128x128xf32, #tpu.memory_space<vmem>> -> memref<128x128xf32, #tpu.memory_space<vmem>>
          %dma_wait3A_86 = arith.constant 0 : i32
          %dma_wait3A_87 = tpu.memref_slice %arg8[%rem3A_70, %scan3A_44, %dma_wait3A_86] : memref<2x8x128xi32, #tpu.memory_space<vmem>> -> memref<1x1x128xi32, #tpu.memory_space<vmem>>
          %dma_wait3A_88 = tpu.memref_squeeze %dma_wait3A_87 : memref<1x1x128xi32, #tpu.memory_space<vmem>> -> memref<128xi32, #tpu.memory_space<vmem>>
          %dma_wait3A_89 = arith.constant 0 : i32
          %dma_wait3A_90 = arith.constant 0 : i32
          %dma_wait3A_91 = tpu.memref_slice %arg10[%dma_wait3A_89, %dma_wait3A_90] : memref<10240x128xf32, #tpu.memory_space<vmem_shared>> -> memref<10240x128xf32, #tpu.memory_space<vmem_shared>>
          tpu.wait_indirect_dma semaphore(%run_scoped3A_71 : memref<!tpu.dma_semaphore, #tpu.memory_space<semaphore_mem>>) src(%dma_wait3A_85 : memref<128x128xf32, #tpu.memory_space<vmem>>) dst(%dma_wait3A_91 : memref<10240x128xf32, #tpu.memory_space<vmem_shared>>)
          tpu.yield
        }) : () -> ()
      }
      %scan3A_43 = arith.constant 8 : i32
    }
    %scan3A_29 = arith.constant 10 : i32
    %barrier3A_30 = arith.constant 0 : index
    tpu.barrier barrier_id(%barrier3A_30)
    "tpu.region"() ({
      %run_scoped3A_31 = tpu.sem_alloc : memref<!tpu.dma_semaphore, #tpu.memory_space<semaphore_mem>>
      %dma_start3A_32 = arith.constant 0 : i32
      %dma_start3A_33 = tpu.memref_slice %arg6[%arg0, %mul3A_2, %dma_start3A_32] : memref<2x10240x128xf32, #tpu.memory_space<hbm>> -> memref<1x640x128xf32, #tpu.memory_space<hbm>>
      %dma_start3A_34 = tpu.memref_squeeze %dma_start3A_33 : memref<1x640x128xf32, #tpu.memory_space<hbm>> -> memref<640x128xf32, #tpu.memory_space<hbm>>
      %dma_start3A_35 = arith.constant 0 : i32
      %dma_start3A_36 = tpu.memref_slice %arg10[%mul3A_2, %dma_start3A_35] : memref<10240x128xf32, #tpu.memory_space<vmem_shared>> -> memref<640x128xf32, #tpu.memory_space<vmem_shared>>
      tpu.enqueue_dma source(%dma_start3A_36 : memref<640x128xf32, #tpu.memory_space<vmem_shared>>) target(%dma_start3A_34 : memref<640x128xf32, #tpu.memory_space<hbm>>) target_semaphore(%run_scoped3A_31 : memref<!tpu.dma_semaphore, #tpu.memory_space<semaphore_mem>>)
      %dma_wait3A = arith.constant 0 : i32
      %dma_wait3A_37 = tpu.memref_slice %arg6[%arg0, %mul3A_2, %dma_wait3A] : memref<2x10240x128xf32, #tpu.memory_space<hbm>> -> memref<1x640x128xf32, #tpu.memory_space<hbm>>
      %dma_wait3A_38 = tpu.memref_squeeze %dma_wait3A_37 : memref<1x640x128xf32, #tpu.memory_space<hbm>> -> memref<640x128xf32, #tpu.memory_space<hbm>>
      %dma_wait3A_39 = arith.constant 0 : i32
      %dma_wait3A_40 = tpu.memref_slice %arg10[%mul3A_2, %dma_wait3A_39] : memref<10240x128xf32, #tpu.memory_space<vmem_shared>> -> memref<640x128xf32, #tpu.memory_space<vmem_shared>>
      tpu.wait_dma2 semaphore(%run_scoped3A_31 : memref<!tpu.dma_semaphore, #tpu.memory_space<semaphore_mem>>) src(%dma_wait3A_40 : memref<640x128xf32, #tpu.memory_space<vmem_shared>>) dst(%dma_wait3A_38 : memref<640x128xf32, #tpu.memory_space<hbm>>)
      tpu.yield
    }) : () -> ()
    return
  }
}

#map = affine_map<(d0, d1) -> (0, 0)>
#map1 = affine_map<(d0, d1) -> (0, 0, 0)>
module attributes {stable_mosaic.version = 14 : i64} {
  func.func @agg(%arg0: i32, %arg1: i32, %arg2: memref<10240x128xf32, #tpu.memory_space<hbm>>, %arg3: memref<32x80x128xi32, #tpu.memory_space<hbm>>, %arg4: memref<32x80x128xi32, #tpu.memory_space<hbm>>, %arg5: memref<10240x128xf32, #tpu.memory_space<hbm>>, %arg6: memref<2x10240x128xf32, #tpu.memory_space<hbm>>, %arg7: memref<2x8x128xi32, #tpu.memory_space<vmem>>, %arg8: memref<2x8x128xi32, #tpu.memory_space<vmem>>, %arg9: memref<2x128x128xf32, #tpu.memory_space<vmem>>, %arg10: memref<10240x128xf32, #tpu.memory_space<vmem_shared>>, %arg11: memref<2x!tpu.dma_semaphore, #tpu.memory_space<semaphore_mem>>) attributes {dimension_semantics = [#tpu.dimension_semantics<core_parallel>, #tpu.dimension_semantics<subcore_parallel>], iteration_bounds = array<i64: 2, 16>, scalar_prefetch = 0 : i64, scratch_operands = 5 : i64, tpu.core_type = #tpu.core_type<sc_vector_subcore>, window_params = [{transform_indices = #map}, {transform_indices = #map1}, {transform_indices = #map1}, {transform_indices = #map}, {transform_indices = #map1}]} {
    %mul3A = arith.constant 16 : i32
    %mul3A_0 = arith.muli %arg0, %mul3A : i32
    %add3A = arith.addi %mul3A_0, %arg1 : i32
    %mul3A_1 = arith.constant 640 : i32
    %mul3A_2 = arith.muli %arg1, %mul3A_1 : i32
    %eq3A = arith.constant 0 : i32
    %eq3A_3 = arith.cmpi eq, %arg0, %eq3A : i32
    %convert_element_type3A = arith.extui %eq3A_3 : i1 to i32
    %cond3A = arith.constant 0 : i32
    %cond3A_4 = arith.cmpi ne, %convert_element_type3A, %cond3A : i32
    scf.if %cond3A_4 {
      "tpu.region"() ({
        %run_scoped3A_31 = tpu.sem_alloc : memref<!tpu.dma_semaphore, #tpu.memory_space<semaphore_mem>>
        %dma_start3A_32 = arith.constant 0 : i32
        %dma_start3A_33 = tpu.memref_slice %arg10[%mul3A_2, %dma_start3A_32] : memref<10240x128xf32, #tpu.memory_space<vmem_shared>> -> memref<640x128xf32, #tpu.memory_space<vmem_shared>>
        %dma_start3A_34 = arith.constant 0 : i32
        %dma_start3A_35 = tpu.memref_slice %arg2[%mul3A_2, %dma_start3A_34] : memref<10240x128xf32, #tpu.memory_space<hbm>> -> memref<640x128xf32, #tpu.memory_space<hbm>>
        tpu.enqueue_dma source(%dma_start3A_35 : memref<640x128xf32, #tpu.memory_space<hbm>>) target(%dma_start3A_33 : memref<640x128xf32, #tpu.memory_space<vmem_shared>>) target_semaphore(%run_scoped3A_31 : memref<!tpu.dma_semaphore, #tpu.memory_space<semaphore_mem>>)
        %dma_wait3A = arith.constant 0 : i32
        %dma_wait3A_36 = tpu.memref_slice %arg10[%mul3A_2, %dma_wait3A] : memref<10240x128xf32, #tpu.memory_space<vmem_shared>> -> memref<640x128xf32, #tpu.memory_space<vmem_shared>>
        %dma_wait3A_37 = arith.constant 0 : i32
        %dma_wait3A_38 = tpu.memref_slice %arg2[%mul3A_2, %dma_wait3A_37] : memref<10240x128xf32, #tpu.memory_space<hbm>> -> memref<640x128xf32, #tpu.memory_space<hbm>>
        tpu.wait_dma2 semaphore(%run_scoped3A_31 : memref<!tpu.dma_semaphore, #tpu.memory_space<semaphore_mem>>) src(%dma_wait3A_38 : memref<640x128xf32, #tpu.memory_space<hbm>>) dst(%dma_wait3A_36 : memref<640x128xf32, #tpu.memory_space<vmem_shared>>)
        tpu.yield
      }) : () -> ()
    } else {
    }
    %ne3A = arith.constant 0 : i32
    %ne3A_5 = arith.cmpi ne, %arg0, %ne3A : i32
    %convert_element_type3A_6 = arith.extui %ne3A_5 : i1 to i32
    %cond3A_7 = arith.constant 0 : i32
    %cond3A_8 = arith.cmpi ne, %convert_element_type3A_6, %cond3A_7 : i32
    scf.if %cond3A_8 {
      "tpu.region"() ({
        %run_scoped3A_31 = tpu.sem_alloc : memref<!tpu.dma_semaphore, #tpu.memory_space<semaphore_mem>>
        %dma_start3A_32 = arith.constant 0 : i32
        %dma_start3A_33 = tpu.memref_slice %arg10[%mul3A_2, %dma_start3A_32] : memref<10240x128xf32, #tpu.memory_space<vmem_shared>> -> memref<640x128xf32, #tpu.memory_space<vmem_shared>>
        %dma_start3A_34 = arith.constant 0 : i32
        %dma_start3A_35 = tpu.memref_slice %arg5[%mul3A_2, %dma_start3A_34] : memref<10240x128xf32, #tpu.memory_space<hbm>> -> memref<640x128xf32, #tpu.memory_space<hbm>>
        tpu.enqueue_dma source(%dma_start3A_35 : memref<640x128xf32, #tpu.memory_space<hbm>>) target(%dma_start3A_33 : memref<640x128xf32, #tpu.memory_space<vmem_shared>>) target_semaphore(%run_scoped3A_31 : memref<!tpu.dma_semaphore, #tpu.memory_space<semaphore_mem>>)
        %dma_wait3A = arith.constant 0 : i32
        %dma_wait3A_36 = tpu.memref_slice %arg10[%mul3A_2, %dma_wait3A] : memref<10240x128xf32, #tpu.memory_space<vmem_shared>> -> memref<640x128xf32, #tpu.memory_space<vmem_shared>>
        %dma_wait3A_37 = arith.constant 0 : i32
        %dma_wait3A_38 = tpu.memref_slice %arg5[%mul3A_2, %dma_wait3A_37] : memref<10240x128xf32, #tpu.memory_space<hbm>> -> memref<640x128xf32, #tpu.memory_space<hbm>>
        tpu.wait_dma2 semaphore(%run_scoped3A_31 : memref<!tpu.dma_semaphore, #tpu.memory_space<semaphore_mem>>) src(%dma_wait3A_38 : memref<640x128xf32, #tpu.memory_space<hbm>>) dst(%dma_wait3A_36 : memref<640x128xf32, #tpu.memory_space<vmem_shared>>)
        tpu.yield
      }) : () -> ()
    } else {
    }
    %run_scoped3A = arith.constant 0 : i32
    "tpu.region"() ({
      %run_scoped3A_31 = tpu.sem_alloc : memref<!tpu.dma_semaphore, #tpu.memory_space<semaphore_mem>>
      %dma_start3A_32 = arith.constant 0 : i32
      %dma_start3A_33 = arith.constant 0 : i32
      %dma_start3A_34 = tpu.memref_slice %arg7[%run_scoped3A, %dma_start3A_32, %dma_start3A_33] : memref<2x8x128xi32, #tpu.memory_space<vmem>> -> memref<1x8x128xi32, #tpu.memory_space<vmem>>
      %dma_start3A_35 = tpu.memref_squeeze %dma_start3A_34 : memref<1x8x128xi32, #tpu.memory_space<vmem>> -> memref<8x128xi32, #tpu.memory_space<vmem>>
      %dma_start3A_36 = arith.constant 0 : i32
      %dma_start3A_37 = arith.constant 0 : i32
      %dma_start3A_38 = tpu.memref_slice %arg3[%add3A, %dma_start3A_36, %dma_start3A_37] : memref<32x80x128xi32, #tpu.memory_space<hbm>> -> memref<1x8x128xi32, #tpu.memory_space<hbm>>
      %dma_start3A_39 = tpu.memref_squeeze %dma_start3A_38 : memref<1x8x128xi32, #tpu.memory_space<hbm>> -> memref<8x128xi32, #tpu.memory_space<hbm>>
      %dma_start3A_40 = arith.constant 0 : i32
      %dma_start3A_41 = arith.constant 0 : i32
      %dma_start3A_42 = tpu.memref_slice %arg7[%run_scoped3A, %dma_start3A_40, %dma_start3A_41] : memref<2x8x128xi32, #tpu.memory_space<vmem>> -> memref<1x8x128xi32, #tpu.memory_space<vmem>>
      %dma_start3A_43 = tpu.memref_squeeze %dma_start3A_42 : memref<1x8x128xi32, #tpu.memory_space<vmem>> -> memref<8x128xi32, #tpu.memory_space<vmem>>
      %dma_start3A_44 = arith.constant 0 : i32
      %dma_start3A_45 = arith.constant 0 : i32
      %dma_start3A_46 = tpu.memref_slice %arg3[%add3A, %dma_start3A_44, %dma_start3A_45] : memref<32x80x128xi32, #tpu.memory_space<hbm>> -> memref<1x8x128xi32, #tpu.memory_space<hbm>>
      %dma_start3A_47 = tpu.memref_squeeze %dma_start3A_46 : memref<1x8x128xi32, #tpu.memory_space<hbm>> -> memref<8x128xi32, #tpu.memory_space<hbm>>
      tpu.enqueue_dma source(%dma_start3A_47 : memref<8x128xi32, #tpu.memory_space<hbm>>) target(%dma_start3A_43 : memref<8x128xi32, #tpu.memory_space<vmem>>) target_semaphore(%run_scoped3A_31 : memref<!tpu.dma_semaphore, #tpu.memory_space<semaphore_mem>>)
      %dma_wait3A = arith.constant 0 : i32
      %dma_wait3A_48 = arith.constant 0 : i32
      %dma_wait3A_49 = tpu.memref_slice %arg7[%run_scoped3A, %dma_wait3A, %dma_wait3A_48] : memref<2x8x128xi32, #tpu.memory_space<vmem>> -> memref<1x8x128xi32, #tpu.memory_space<vmem>>
      %dma_wait3A_50 = tpu.memref_squeeze %dma_wait3A_49 : memref<1x8x128xi32, #tpu.memory_space<vmem>> -> memref<8x128xi32, #tpu.memory_space<vmem>>
      %dma_wait3A_51 = arith.constant 0 : i32
      %dma_wait3A_52 = arith.constant 0 : i32
      %dma_wait3A_53 = tpu.memref_slice %arg3[%add3A, %dma_wait3A_51, %dma_wait3A_52] : memref<32x80x128xi32, #tpu.memory_space<hbm>> -> memref<1x8x128xi32, #tpu.memory_space<hbm>>
      %dma_wait3A_54 = tpu.memref_squeeze %dma_wait3A_53 : memref<1x8x128xi32, #tpu.memory_space<hbm>> -> memref<8x128xi32, #tpu.memory_space<hbm>>
      %dma_wait3A_55 = arith.constant 0 : i32
      %dma_wait3A_56 = arith.constant 0 : i32
      %dma_wait3A_57 = tpu.memref_slice %arg7[%run_scoped3A, %dma_wait3A_55, %dma_wait3A_56] : memref<2x8x128xi32, #tpu.memory_space<vmem>> -> memref<1x8x128xi32, #tpu.memory_space<vmem>>
      %dma_wait3A_58 = tpu.memref_squeeze %dma_wait3A_57 : memref<1x8x128xi32, #tpu.memory_space<vmem>> -> memref<8x128xi32, #tpu.memory_space<vmem>>
      %dma_wait3A_59 = arith.constant 0 : i32
      %dma_wait3A_60 = arith.constant 0 : i32
      %dma_wait3A_61 = tpu.memref_slice %arg3[%add3A, %dma_wait3A_59, %dma_wait3A_60] : memref<32x80x128xi32, #tpu.memory_space<hbm>> -> memref<1x8x128xi32, #tpu.memory_space<hbm>>
      %dma_wait3A_62 = tpu.memref_squeeze %dma_wait3A_61 : memref<1x8x128xi32, #tpu.memory_space<hbm>> -> memref<8x128xi32, #tpu.memory_space<hbm>>
      tpu.wait_dma2 semaphore(%run_scoped3A_31 : memref<!tpu.dma_semaphore, #tpu.memory_space<semaphore_mem>>) src(%dma_wait3A_62 : memref<8x128xi32, #tpu.memory_space<hbm>>) dst(%dma_wait3A_58 : memref<8x128xi32, #tpu.memory_space<vmem>>)
      tpu.yield
    }) : () -> ()
    %run_scoped3A_9 = arith.constant 0 : i32
    "tpu.region"() ({
      %run_scoped3A_31 = tpu.sem_alloc : memref<!tpu.dma_semaphore, #tpu.memory_space<semaphore_mem>>
      %dma_start3A_32 = arith.constant 0 : i32
      %dma_start3A_33 = arith.constant 0 : i32
      %dma_start3A_34 = tpu.memref_slice %arg8[%run_scoped3A_9, %dma_start3A_32, %dma_start3A_33] : memref<2x8x128xi32, #tpu.memory_space<vmem>> -> memref<1x8x128xi32, #tpu.memory_space<vmem>>
      %dma_start3A_35 = tpu.memref_squeeze %dma_start3A_34 : memref<1x8x128xi32, #tpu.memory_space<vmem>> -> memref<8x128xi32, #tpu.memory_space<vmem>>
      %dma_start3A_36 = arith.constant 0 : i32
      %dma_start3A_37 = arith.constant 0 : i32
      %dma_start3A_38 = tpu.memref_slice %arg4[%add3A, %dma_start3A_36, %dma_start3A_37] : memref<32x80x128xi32, #tpu.memory_space<hbm>> -> memref<1x8x128xi32, #tpu.memory_space<hbm>>
      %dma_start3A_39 = tpu.memref_squeeze %dma_start3A_38 : memref<1x8x128xi32, #tpu.memory_space<hbm>> -> memref<8x128xi32, #tpu.memory_space<hbm>>
      %dma_start3A_40 = arith.constant 0 : i32
      %dma_start3A_41 = arith.constant 0 : i32
      %dma_start3A_42 = tpu.memref_slice %arg8[%run_scoped3A_9, %dma_start3A_40, %dma_start3A_41] : memref<2x8x128xi32, #tpu.memory_space<vmem>> -> memref<1x8x128xi32, #tpu.memory_space<vmem>>
      %dma_start3A_43 = tpu.memref_squeeze %dma_start3A_42 : memref<1x8x128xi32, #tpu.memory_space<vmem>> -> memref<8x128xi32, #tpu.memory_space<vmem>>
      %dma_start3A_44 = arith.constant 0 : i32
      %dma_start3A_45 = arith.constant 0 : i32
      %dma_start3A_46 = tpu.memref_slice %arg4[%add3A, %dma_start3A_44, %dma_start3A_45] : memref<32x80x128xi32, #tpu.memory_space<hbm>> -> memref<1x8x128xi32, #tpu.memory_space<hbm>>
      %dma_start3A_47 = tpu.memref_squeeze %dma_start3A_46 : memref<1x8x128xi32, #tpu.memory_space<hbm>> -> memref<8x128xi32, #tpu.memory_space<hbm>>
      tpu.enqueue_dma source(%dma_start3A_47 : memref<8x128xi32, #tpu.memory_space<hbm>>) target(%dma_start3A_43 : memref<8x128xi32, #tpu.memory_space<vmem>>) target_semaphore(%run_scoped3A_31 : memref<!tpu.dma_semaphore, #tpu.memory_space<semaphore_mem>>)
      %dma_wait3A = arith.constant 0 : i32
      %dma_wait3A_48 = arith.constant 0 : i32
      %dma_wait3A_49 = tpu.memref_slice %arg8[%run_scoped3A_9, %dma_wait3A, %dma_wait3A_48] : memref<2x8x128xi32, #tpu.memory_space<vmem>> -> memref<1x8x128xi32, #tpu.memory_space<vmem>>
      %dma_wait3A_50 = tpu.memref_squeeze %dma_wait3A_49 : memref<1x8x128xi32, #tpu.memory_space<vmem>> -> memref<8x128xi32, #tpu.memory_space<vmem>>
      %dma_wait3A_51 = arith.constant 0 : i32
      %dma_wait3A_52 = arith.constant 0 : i32
      %dma_wait3A_53 = tpu.memref_slice %arg4[%add3A, %dma_wait3A_51, %dma_wait3A_52] : memref<32x80x128xi32, #tpu.memory_space<hbm>> -> memref<1x8x128xi32, #tpu.memory_space<hbm>>
      %dma_wait3A_54 = tpu.memref_squeeze %dma_wait3A_53 : memref<1x8x128xi32, #tpu.memory_space<hbm>> -> memref<8x128xi32, #tpu.memory_space<hbm>>
      %dma_wait3A_55 = arith.constant 0 : i32
      %dma_wait3A_56 = arith.constant 0 : i32
      %dma_wait3A_57 = tpu.memref_slice %arg8[%run_scoped3A_9, %dma_wait3A_55, %dma_wait3A_56] : memref<2x8x128xi32, #tpu.memory_space<vmem>> -> memref<1x8x128xi32, #tpu.memory_space<vmem>>
      %dma_wait3A_58 = tpu.memref_squeeze %dma_wait3A_57 : memref<1x8x128xi32, #tpu.memory_space<vmem>> -> memref<8x128xi32, #tpu.memory_space<vmem>>
      %dma_wait3A_59 = arith.constant 0 : i32
      %dma_wait3A_60 = arith.constant 0 : i32
      %dma_wait3A_61 = tpu.memref_slice %arg4[%add3A, %dma_wait3A_59, %dma_wait3A_60] : memref<32x80x128xi32, #tpu.memory_space<hbm>> -> memref<1x8x128xi32, #tpu.memory_space<hbm>>
      %dma_wait3A_62 = tpu.memref_squeeze %dma_wait3A_61 : memref<1x8x128xi32, #tpu.memory_space<hbm>> -> memref<8x128xi32, #tpu.memory_space<hbm>>
      tpu.wait_dma2 semaphore(%run_scoped3A_31 : memref<!tpu.dma_semaphore, #tpu.memory_space<semaphore_mem>>) src(%dma_wait3A_62 : memref<8x128xi32, #tpu.memory_space<hbm>>) dst(%dma_wait3A_58 : memref<8x128xi32, #tpu.memory_space<vmem>>)
      tpu.yield
    }) : () -> ()
    %barrier3A = arith.constant 0 : index
    tpu.barrier barrier_id(%barrier3A)
    %dma_start3A = arith.constant 0 : i32
    %dma_start3A_10 = arith.constant 0 : i32
    %dma_start3A_11 = arith.constant 0 : i32
    %dma_start3A_12 = arith.constant 0 : i32
    %dma_start3A_13 = arith.constant 0 : i32
    %dma_start3A_14 = arith.constant 0 : i32
    %dma_start3A_15 = tpu.memref_slice %arg9[%dma_start3A_11, %dma_start3A_13, %dma_start3A_14] : memref<2x128x128xf32, #tpu.memory_space<vmem>> -> memref<1x128x128xf32, #tpu.memory_space<vmem>>
    %dma_start3A_16 = tpu.memref_squeeze %dma_start3A_15 : memref<1x128x128xf32, #tpu.memory_space<vmem>> -> memref<128x128xf32, #tpu.memory_space<vmem>>
    %dma_start3A_17 = arith.constant 0 : i32
    %dma_start3A_18 = tpu.memref_slice %arg7[%dma_start3A, %dma_start3A_10, %dma_start3A_17] : memref<2x8x128xi32, #tpu.memory_space<vmem>> -> memref<1x1x128xi32, #tpu.memory_space<vmem>>
    %dma_start3A_19 = tpu.memref_squeeze %dma_start3A_18 : memref<1x1x128xi32, #tpu.memory_space<vmem>> -> memref<128xi32, #tpu.memory_space<vmem>>
    %dma_start3A_20 = arith.constant 0 : i32
    %dma_start3A_21 = arith.constant 0 : i32
    %dma_start3A_22 = tpu.memref_slice %arg2[%dma_start3A_20, %dma_start3A_21] : memref<10240x128xf32, #tpu.memory_space<hbm>> -> memref<10240x128xf32, #tpu.memory_space<hbm>>
    %dma_start3A_23 = tpu.memref_slice %arg11[%dma_start3A_12] : memref<2x!tpu.dma_semaphore, #tpu.memory_space<semaphore_mem>> -> memref<1x!tpu.dma_semaphore, #tpu.memory_space<semaphore_mem>>
    %dma_start3A_24 = tpu.memref_squeeze %dma_start3A_23 : memref<1x!tpu.dma_semaphore, #tpu.memory_space<semaphore_mem>> -> memref<!tpu.dma_semaphore, #tpu.memory_space<semaphore_mem>>
    tpu.enqueue_indirect_dma source(%dma_start3A_22 : memref<10240x128xf32, #tpu.memory_space<hbm>>) target(%dma_start3A_16 : memref<128x128xf32, #tpu.memory_space<vmem>>) offsets(%dma_start3A_19 : memref<128xi32, #tpu.memory_space<vmem>>) semaphore(%dma_start3A_24 : memref<!tpu.dma_semaphore, #tpu.memory_space<semaphore_mem>>)
    %scan3A = arith.constant 0 : i32
    %scan3A_25 = arith.constant 0 : i32
    %scan3A_26 = arith.constant 10 : i32
    %scan3A_27 = arith.addi %scan3A_25, %scan3A_26 : i32
    %scan3A_28 = arith.constant 1 : i32
    scf.for %scan3A_31 = %scan3A_25 to %scan3A_27 step %scan3A_28  : i32 {
      %add3A_32 = arith.constant 1 : i32
      %add3A_33 = arith.addi %scan3A_31, %add3A_32 : i32
      %lt3A = arith.constant 10 : i32
      %lt3A_34 = arith.cmpi slt, %add3A_33, %lt3A : i32
      %convert_element_type3A_35 = arith.extui %lt3A_34 : i1 to i32
      %cond3A_36 = arith.constant 0 : i32
      %cond3A_37 = arith.cmpi ne, %convert_element_type3A_35, %cond3A_36 : i32
      scf.if %cond3A_37 {
        %add3A_44 = arith.constant 1 : i32
        %add3A_45 = arith.addi %scan3A_31, %add3A_44 : i32
        %mul3A_46 = arith.constant 8 : i32
        %mul3A_47 = arith.muli %add3A_45, %mul3A_46 : i32
        %add3A_48 = arith.constant 1 : i32
        %add3A_49 = arith.addi %scan3A_31, %add3A_48 : i32
        %rem3A = arith.constant 2 : i32
        %rem3A_50 = arith.remsi %add3A_49, %rem3A : i32
        "tpu.region"() ({
          %run_scoped3A_59 = tpu.sem_alloc : memref<!tpu.dma_semaphore, #tpu.memory_space<semaphore_mem>>
          %dma_start3A_60 = arith.constant 0 : i32
          %dma_start3A_61 = arith.constant 0 : i32
          %dma_start3A_62 = tpu.memref_slice %arg7[%rem3A_50, %dma_start3A_60, %dma_start3A_61] : memref<2x8x128xi32, #tpu.memory_space<vmem>> -> memref<1x8x128xi32, #tpu.memory_space<vmem>>
          %dma_start3A_63 = tpu.memref_squeeze %dma_start3A_62 : memref<1x8x128xi32, #tpu.memory_space<vmem>> -> memref<8x128xi32, #tpu.memory_space<vmem>>
          %dma_start3A_64 = arith.constant 0 : i32
          %dma_start3A_65 = tpu.memref_slice %arg3[%add3A, %mul3A_47, %dma_start3A_64] : memref<32x80x128xi32, #tpu.memory_space<hbm>> -> memref<1x8x128xi32, #tpu.memory_space<hbm>>
          %dma_start3A_66 = tpu.memref_squeeze %dma_start3A_65 : memref<1x8x128xi32, #tpu.memory_space<hbm>> -> memref<8x128xi32, #tpu.memory_space<hbm>>
          %dma_start3A_67 = arith.constant 0 : i32
          %dma_start3A_68 = arith.constant 0 : i32
          %dma_start3A_69 = tpu.memref_slice %arg7[%rem3A_50, %dma_start3A_67, %dma_start3A_68] : memref<2x8x128xi32, #tpu.memory_space<vmem>> -> memref<1x8x128xi32, #tpu.memory_space<vmem>>
          %dma_start3A_70 = tpu.memref_squeeze %dma_start3A_69 : memref<1x8x128xi32, #tpu.memory_space<vmem>> -> memref<8x128xi32, #tpu.memory_space<vmem>>
          %dma_start3A_71 = arith.constant 0 : i32
          %dma_start3A_72 = tpu.memref_slice %arg3[%add3A, %mul3A_47, %dma_start3A_71] : memref<32x80x128xi32, #tpu.memory_space<hbm>> -> memref<1x8x128xi32, #tpu.memory_space<hbm>>
          %dma_start3A_73 = tpu.memref_squeeze %dma_start3A_72 : memref<1x8x128xi32, #tpu.memory_space<hbm>> -> memref<8x128xi32, #tpu.memory_space<hbm>>
          tpu.enqueue_dma source(%dma_start3A_73 : memref<8x128xi32, #tpu.memory_space<hbm>>) target(%dma_start3A_70 : memref<8x128xi32, #tpu.memory_space<vmem>>) target_semaphore(%run_scoped3A_59 : memref<!tpu.dma_semaphore, #tpu.memory_space<semaphore_mem>>)
          %dma_wait3A = arith.constant 0 : i32
          %dma_wait3A_74 = arith.constant 0 : i32
          %dma_wait3A_75 = tpu.memref_slice %arg7[%rem3A_50, %dma_wait3A, %dma_wait3A_74] : memref<2x8x128xi32, #tpu.memory_space<vmem>> -> memref<1x8x128xi32, #tpu.memory_space<vmem>>
          %dma_wait3A_76 = tpu.memref_squeeze %dma_wait3A_75 : memref<1x8x128xi32, #tpu.memory_space<vmem>> -> memref<8x128xi32, #tpu.memory_space<vmem>>
          %dma_wait3A_77 = arith.constant 0 : i32
          %dma_wait3A_78 = tpu.memref_slice %arg3[%add3A, %mul3A_47, %dma_wait3A_77] : memref<32x80x128xi32, #tpu.memory_space<hbm>> -> memref<1x8x128xi32, #tpu.memory_space<hbm>>
          %dma_wait3A_79 = tpu.memref_squeeze %dma_wait3A_78 : memref<1x8x128xi32, #tpu.memory_space<hbm>> -> memref<8x128xi32, #tpu.memory_space<hbm>>
          %dma_wait3A_80 = arith.constant 0 : i32
          %dma_wait3A_81 = arith.constant 0 : i32
          %dma_wait3A_82 = tpu.memref_slice %arg7[%rem3A_50, %dma_wait3A_80, %dma_wait3A_81] : memref<2x8x128xi32, #tpu.memory_space<vmem>> -> memref<1x8x128xi32, #tpu.memory_space<vmem>>
          %dma_wait3A_83 = tpu.memref_squeeze %dma_wait3A_82 : memref<1x8x128xi32, #tpu.memory_space<vmem>> -> memref<8x128xi32, #tpu.memory_space<vmem>>
          %dma_wait3A_84 = arith.constant 0 : i32
          %dma_wait3A_85 = tpu.memref_slice %arg3[%add3A, %mul3A_47, %dma_wait3A_84] : memref<32x80x128xi32, #tpu.memory_space<hbm>> -> memref<1x8x128xi32, #tpu.memory_space<hbm>>
          %dma_wait3A_86 = tpu.memref_squeeze %dma_wait3A_85 : memref<1x8x128xi32, #tpu.memory_space<hbm>> -> memref<8x128xi32, #tpu.memory_space<hbm>>
          tpu.wait_dma2 semaphore(%run_scoped3A_59 : memref<!tpu.dma_semaphore, #tpu.memory_space<semaphore_mem>>) src(%dma_wait3A_86 : memref<8x128xi32, #tpu.memory_space<hbm>>) dst(%dma_wait3A_83 : memref<8x128xi32, #tpu.memory_space<vmem>>)
          tpu.yield
        }) : () -> ()
        %add3A_51 = arith.constant 1 : i32
        %add3A_52 = arith.addi %scan3A_31, %add3A_51 : i32
        %mul3A_53 = arith.constant 8 : i32
        %mul3A_54 = arith.muli %add3A_52, %mul3A_53 : i32
        %add3A_55 = arith.constant 1 : i32
        %add3A_56 = arith.addi %scan3A_31, %add3A_55 : i32
        %rem3A_57 = arith.constant 2 : i32
        %rem3A_58 = arith.remsi %add3A_56, %rem3A_57 : i32
        "tpu.region"() ({
          %run_scoped3A_59 = tpu.sem_alloc : memref<!tpu.dma_semaphore, #tpu.memory_space<semaphore_mem>>
          %dma_start3A_60 = arith.constant 0 : i32
          %dma_start3A_61 = arith.constant 0 : i32
          %dma_start3A_62 = tpu.memref_slice %arg8[%rem3A_58, %dma_start3A_60, %dma_start3A_61] : memref<2x8x128xi32, #tpu.memory_space<vmem>> -> memref<1x8x128xi32, #tpu.memory_space<vmem>>
          %dma_start3A_63 = tpu.memref_squeeze %dma_start3A_62 : memref<1x8x128xi32, #tpu.memory_space<vmem>> -> memref<8x128xi32, #tpu.memory_space<vmem>>
          %dma_start3A_64 = arith.constant 0 : i32
          %dma_start3A_65 = tpu.memref_slice %arg4[%add3A, %mul3A_54, %dma_start3A_64] : memref<32x80x128xi32, #tpu.memory_space<hbm>> -> memref<1x8x128xi32, #tpu.memory_space<hbm>>
          %dma_start3A_66 = tpu.memref_squeeze %dma_start3A_65 : memref<1x8x128xi32, #tpu.memory_space<hbm>> -> memref<8x128xi32, #tpu.memory_space<hbm>>
          %dma_start3A_67 = arith.constant 0 : i32
          %dma_start3A_68 = arith.constant 0 : i32
          %dma_start3A_69 = tpu.memref_slice %arg8[%rem3A_58, %dma_start3A_67, %dma_start3A_68] : memref<2x8x128xi32, #tpu.memory_space<vmem>> -> memref<1x8x128xi32, #tpu.memory_space<vmem>>
          %dma_start3A_70 = tpu.memref_squeeze %dma_start3A_69 : memref<1x8x128xi32, #tpu.memory_space<vmem>> -> memref<8x128xi32, #tpu.memory_space<vmem>>
          %dma_start3A_71 = arith.constant 0 : i32
          %dma_start3A_72 = tpu.memref_slice %arg4[%add3A, %mul3A_54, %dma_start3A_71] : memref<32x80x128xi32, #tpu.memory_space<hbm>> -> memref<1x8x128xi32, #tpu.memory_space<hbm>>
          %dma_start3A_73 = tpu.memref_squeeze %dma_start3A_72 : memref<1x8x128xi32, #tpu.memory_space<hbm>> -> memref<8x128xi32, #tpu.memory_space<hbm>>
          tpu.enqueue_dma source(%dma_start3A_73 : memref<8x128xi32, #tpu.memory_space<hbm>>) target(%dma_start3A_70 : memref<8x128xi32, #tpu.memory_space<vmem>>) target_semaphore(%run_scoped3A_59 : memref<!tpu.dma_semaphore, #tpu.memory_space<semaphore_mem>>)
          %dma_wait3A = arith.constant 0 : i32
          %dma_wait3A_74 = arith.constant 0 : i32
          %dma_wait3A_75 = tpu.memref_slice %arg8[%rem3A_58, %dma_wait3A, %dma_wait3A_74] : memref<2x8x128xi32, #tpu.memory_space<vmem>> -> memref<1x8x128xi32, #tpu.memory_space<vmem>>
          %dma_wait3A_76 = tpu.memref_squeeze %dma_wait3A_75 : memref<1x8x128xi32, #tpu.memory_space<vmem>> -> memref<8x128xi32, #tpu.memory_space<vmem>>
          %dma_wait3A_77 = arith.constant 0 : i32
          %dma_wait3A_78 = tpu.memref_slice %arg4[%add3A, %mul3A_54, %dma_wait3A_77] : memref<32x80x128xi32, #tpu.memory_space<hbm>> -> memref<1x8x128xi32, #tpu.memory_space<hbm>>
          %dma_wait3A_79 = tpu.memref_squeeze %dma_wait3A_78 : memref<1x8x128xi32, #tpu.memory_space<hbm>> -> memref<8x128xi32, #tpu.memory_space<hbm>>
          %dma_wait3A_80 = arith.constant 0 : i32
          %dma_wait3A_81 = arith.constant 0 : i32
          %dma_wait3A_82 = tpu.memref_slice %arg8[%rem3A_58, %dma_wait3A_80, %dma_wait3A_81] : memref<2x8x128xi32, #tpu.memory_space<vmem>> -> memref<1x8x128xi32, #tpu.memory_space<vmem>>
          %dma_wait3A_83 = tpu.memref_squeeze %dma_wait3A_82 : memref<1x8x128xi32, #tpu.memory_space<vmem>> -> memref<8x128xi32, #tpu.memory_space<vmem>>
          %dma_wait3A_84 = arith.constant 0 : i32
          %dma_wait3A_85 = tpu.memref_slice %arg4[%add3A, %mul3A_54, %dma_wait3A_84] : memref<32x80x128xi32, #tpu.memory_space<hbm>> -> memref<1x8x128xi32, #tpu.memory_space<hbm>>
          %dma_wait3A_86 = tpu.memref_squeeze %dma_wait3A_85 : memref<1x8x128xi32, #tpu.memory_space<hbm>> -> memref<8x128xi32, #tpu.memory_space<hbm>>
          tpu.wait_dma2 semaphore(%run_scoped3A_59 : memref<!tpu.dma_semaphore, #tpu.memory_space<semaphore_mem>>) src(%dma_wait3A_86 : memref<8x128xi32, #tpu.memory_space<hbm>>) dst(%dma_wait3A_83 : memref<8x128xi32, #tpu.memory_space<vmem>>)
          tpu.yield
        }) : () -> ()
      } else {
      }
      %scan3A_38 = arith.constant 0 : i32
      %scan3A_39 = arith.constant 0 : i32
      %scan3A_40 = arith.constant 8 : i32
      %scan3A_41 = arith.addi %scan3A_39, %scan3A_40 : i32
      %scan3A_42 = arith.constant 1 : i32
      scf.for %scan3A_44 = %scan3A_39 to %scan3A_41 step %scan3A_42  : i32 {
        %mul3A_45 = arith.constant 8 : i32
        %mul3A_46 = arith.muli %scan3A_31, %mul3A_45 : i32
        %add3A_47 = arith.addi %mul3A_46, %scan3A_44 : i32
        %add3A_48 = arith.constant 1 : i32
        %add3A_49 = arith.addi %add3A_47, %add3A_48 : i32
        %lt3A_50 = arith.constant 80 : i32
        %lt3A_51 = arith.cmpi slt, %add3A_49, %lt3A_50 : i32
        %convert_element_type3A_52 = arith.extui %lt3A_51 : i1 to i32
        %cond3A_53 = arith.constant 0 : i32
        %cond3A_54 = arith.cmpi ne, %convert_element_type3A_52, %cond3A_53 : i32
        scf.if %cond3A_54 {
          %jit3A = arith.constant 8 : i32
          %div3A = arith.divsi %add3A_49, %jit3A : i32
          %sign3A = arith.constant 0 : i32
          %sign3A_71 = arith.cmpi sgt, %add3A_49, %sign3A : i32
          %sign3A_72 = arith.extui %sign3A_71 : i1 to i32
          %sign3A_73 = arith.constant 0 : i32
          %sign3A_74 = arith.cmpi slt, %add3A_49, %sign3A_73 : i32
          %sign3A_75 = arith.extui %sign3A_74 : i1 to i32
          %sign3A_76 = arith.subi %sign3A_72, %sign3A_75 : i32
          %sign3A_77 = arith.constant 0 : i32
          %sign3A_78 = arith.cmpi sgt, %jit3A, %sign3A_77 : i32
          %sign3A_79 = arith.extui %sign3A_78 : i1 to i32
          %sign3A_80 = arith.constant 0 : i32
          %sign3A_81 = arith.cmpi slt, %jit3A, %sign3A_80 : i32
          %sign3A_82 = arith.extui %sign3A_81 : i1 to i32
          %sign3A_83 = arith.subi %sign3A_79, %sign3A_82 : i32
          %ne3A_84 = arith.cmpi ne, %sign3A_76, %sign3A_83 : i32
          %rem3A_85 = arith.remsi %add3A_49, %jit3A : i32
          %ne3A_86 = arith.constant 0 : i32
          %ne3A_87 = arith.cmpi ne, %rem3A_85, %ne3A_86 : i32
          %and3A = arith.andi %ne3A_84, %ne3A_87 : i1
          %sub3A = arith.constant 1 : i32
          %sub3A_88 = arith.subi %div3A, %sub3A : i32
          %select_n3A = arith.select %and3A, %sub3A_88, %div3A : i32
          %rem3A_89 = arith.constant 2 : i32
          %rem3A_90 = arith.remsi %select_n3A, %rem3A_89 : i32
          %rem3A_91 = arith.constant 8 : i32
          %rem3A_92 = arith.remsi %add3A_49, %rem3A_91 : i32
          %rem3A_93 = arith.constant 2 : i32
          %rem3A_94 = arith.remsi %add3A_49, %rem3A_93 : i32
          %rem3A_95 = arith.constant 2 : i32
          %rem3A_96 = arith.remsi %add3A_49, %rem3A_95 : i32
          %dma_start3A_97 = arith.constant 0 : i32
          %dma_start3A_98 = arith.constant 0 : i32
          %dma_start3A_99 = tpu.memref_slice %arg9[%rem3A_94, %dma_start3A_97, %dma_start3A_98] : memref<2x128x128xf32, #tpu.memory_space<vmem>> -> memref<1x128x128xf32, #tpu.memory_space<vmem>>
          %dma_start3A_100 = tpu.memref_squeeze %dma_start3A_99 : memref<1x128x128xf32, #tpu.memory_space<vmem>> -> memref<128x128xf32, #tpu.memory_space<vmem>>
          %dma_start3A_101 = arith.constant 0 : i32
          %dma_start3A_102 = tpu.memref_slice %arg7[%rem3A_90, %rem3A_92, %dma_start3A_101] : memref<2x8x128xi32, #tpu.memory_space<vmem>> -> memref<1x1x128xi32, #tpu.memory_space<vmem>>
          %dma_start3A_103 = tpu.memref_squeeze %dma_start3A_102 : memref<1x1x128xi32, #tpu.memory_space<vmem>> -> memref<128xi32, #tpu.memory_space<vmem>>
          %dma_start3A_104 = arith.constant 0 : i32
          %dma_start3A_105 = arith.constant 0 : i32
          %dma_start3A_106 = tpu.memref_slice %arg2[%dma_start3A_104, %dma_start3A_105] : memref<10240x128xf32, #tpu.memory_space<hbm>> -> memref<10240x128xf32, #tpu.memory_space<hbm>>
          %dma_start3A_107 = tpu.memref_slice %arg11[%rem3A_96] : memref<2x!tpu.dma_semaphore, #tpu.memory_space<semaphore_mem>> -> memref<1x!tpu.dma_semaphore, #tpu.memory_space<semaphore_mem>>
          %dma_start3A_108 = tpu.memref_squeeze %dma_start3A_107 : memref<1x!tpu.dma_semaphore, #tpu.memory_space<semaphore_mem>> -> memref<!tpu.dma_semaphore, #tpu.memory_space<semaphore_mem>>
          tpu.enqueue_indirect_dma source(%dma_start3A_106 : memref<10240x128xf32, #tpu.memory_space<hbm>>) target(%dma_start3A_100 : memref<128x128xf32, #tpu.memory_space<vmem>>) offsets(%dma_start3A_103 : memref<128xi32, #tpu.memory_space<vmem>>) semaphore(%dma_start3A_108 : memref<!tpu.dma_semaphore, #tpu.memory_space<semaphore_mem>>)
        } else {
        }
        %rem3A = arith.constant 2 : i32
        %rem3A_55 = arith.remsi %add3A_47, %rem3A : i32
        %dma_wait3A = arith.constant 0 : i32
        %dma_wait3A_56 = arith.constant 0 : i32
        %dma_wait3A_57 = arith.constant 0 : i32
        %dma_wait3A_58 = arith.constant 0 : i32
        %dma_wait3A_59 = tpu.memref_slice %arg9[%rem3A_55, %dma_wait3A_57, %dma_wait3A_58] : memref<2x128x128xf32, #tpu.memory_space<vmem>> -> memref<1x128x128xf32, #tpu.memory_space<vmem>>
        %dma_wait3A_60 = tpu.memref_squeeze %dma_wait3A_59 : memref<1x128x128xf32, #tpu.memory_space<vmem>> -> memref<128x128xf32, #tpu.memory_space<vmem>>
        %dma_wait3A_61 = arith.constant 0 : i32
        %dma_wait3A_62 = tpu.memref_slice %arg7[%dma_wait3A, %dma_wait3A_56, %dma_wait3A_61] : memref<2x8x128xi32, #tpu.memory_space<vmem>> -> memref<1x1x128xi32, #tpu.memory_space<vmem>>
        %dma_wait3A_63 = tpu.memref_squeeze %dma_wait3A_62 : memref<1x1x128xi32, #tpu.memory_space<vmem>> -> memref<128xi32, #tpu.memory_space<vmem>>
        %dma_wait3A_64 = arith.constant 0 : i32
        %dma_wait3A_65 = arith.constant 0 : i32
        %dma_wait3A_66 = tpu.memref_slice %arg2[%dma_wait3A_64, %dma_wait3A_65] : memref<10240x128xf32, #tpu.memory_space<hbm>> -> memref<10240x128xf32, #tpu.memory_space<hbm>>
        %dma_wait3A_67 = tpu.memref_slice %arg11[%rem3A_55] : memref<2x!tpu.dma_semaphore, #tpu.memory_space<semaphore_mem>> -> memref<1x!tpu.dma_semaphore, #tpu.memory_space<semaphore_mem>>
        %dma_wait3A_68 = tpu.memref_squeeze %dma_wait3A_67 : memref<1x!tpu.dma_semaphore, #tpu.memory_space<semaphore_mem>> -> memref<!tpu.dma_semaphore, #tpu.memory_space<semaphore_mem>>
        tpu.wait_indirect_dma semaphore(%dma_wait3A_68 : memref<!tpu.dma_semaphore, #tpu.memory_space<semaphore_mem>>) src(%dma_wait3A_66 : memref<10240x128xf32, #tpu.memory_space<hbm>>) dst(%dma_wait3A_60 : memref<128x128xf32, #tpu.memory_space<vmem>>)
        %rem3A_69 = arith.constant 2 : i32
        %rem3A_70 = arith.remsi %scan3A_31, %rem3A_69 : i32
        "tpu.region"() ({
          %run_scoped3A_71 = tpu.sem_alloc : memref<!tpu.dma_semaphore, #tpu.memory_space<semaphore_mem>>
          %dma_start3A_72 = arith.constant 0 : i32
          %dma_start3A_73 = arith.constant 0 : i32
          %dma_start3A_74 = tpu.memref_slice %arg9[%rem3A_55, %dma_start3A_72, %dma_start3A_73] : memref<2x128x128xf32, #tpu.memory_space<vmem>> -> memref<1x128x128xf32, #tpu.memory_space<vmem>>
          %dma_start3A_75 = tpu.memref_squeeze %dma_start3A_74 : memref<1x128x128xf32, #tpu.memory_space<vmem>> -> memref<128x128xf32, #tpu.memory_space<vmem>>
          %dma_start3A_76 = arith.constant 0 : i32
          %dma_start3A_77 = tpu.memref_slice %arg8[%rem3A_70, %scan3A_44, %dma_start3A_76] : memref<2x8x128xi32, #tpu.memory_space<vmem>> -> memref<1x1x128xi32, #tpu.memory_space<vmem>>
          %dma_start3A_78 = tpu.memref_squeeze %dma_start3A_77 : memref<1x1x128xi32, #tpu.memory_space<vmem>> -> memref<128xi32, #tpu.memory_space<vmem>>
          %dma_start3A_79 = arith.constant 0 : i32
          %dma_start3A_80 = arith.constant 0 : i32
          %dma_start3A_81 = tpu.memref_slice %arg10[%dma_start3A_79, %dma_start3A_80] : memref<10240x128xf32, #tpu.memory_space<vmem_shared>> -> memref<10240x128xf32, #tpu.memory_space<vmem_shared>>
          tpu.enqueue_indirect_dma source(%dma_start3A_75 : memref<128x128xf32, #tpu.memory_space<vmem>>) target(%dma_start3A_81 : memref<10240x128xf32, #tpu.memory_space<vmem_shared>>) offsets(%dma_start3A_78 : memref<128xi32, #tpu.memory_space<vmem>>) semaphore(%run_scoped3A_71 : memref<!tpu.dma_semaphore, #tpu.memory_space<semaphore_mem>>) {add = true}
          %dma_wait3A_82 = arith.constant 0 : i32
          %dma_wait3A_83 = arith.constant 0 : i32
          %dma_wait3A_84 = tpu.memref_slice %arg9[%rem3A_55, %dma_wait3A_82, %dma_wait3A_83] : memref<2x128x128xf32, #tpu.memory_space<vmem>> -> memref<1x128x128xf32, #tpu.memory_space<vmem>>
          %dma_wait3A_85 = tpu.memref_squeeze %dma_wait3A_84 : memref<1x128x128xf32, #tpu.memory_space<vmem>> -> memref<128x128xf32, #tpu.memory_space<vmem>>
          %dma_wait3A_86 = arith.constant 0 : i32
          %dma_wait3A_87 = tpu.memref_slice %arg8[%rem3A_70, %scan3A_44, %dma_wait3A_86] : memref<2x8x128xi32, #tpu.memory_space<vmem>> -> memref<1x1x128xi32, #tpu.memory_space<vmem>>
          %dma_wait3A_88 = tpu.memref_squeeze %dma_wait3A_87 : memref<1x1x128xi32, #tpu.memory_space<vmem>> -> memref<128xi32, #tpu.memory_space<vmem>>
          %dma_wait3A_89 = arith.constant 0 : i32
          %dma_wait3A_90 = arith.constant 0 : i32
          %dma_wait3A_91 = tpu.memref_slice %arg10[%dma_wait3A_89, %dma_wait3A_90] : memref<10240x128xf32, #tpu.memory_space<vmem_shared>> -> memref<10240x128xf32, #tpu.memory_space<vmem_shared>>
          tpu.wait_indirect_dma semaphore(%run_scoped3A_71 : memref<!tpu.dma_semaphore, #tpu.memory_space<semaphore_mem>>) src(%dma_wait3A_85 : memref<128x128xf32, #tpu.memory_space<vmem>>) dst(%dma_wait3A_91 : memref<10240x128xf32, #tpu.memory_space<vmem_shared>>)
          tpu.yield
        }) : () -> ()
      }
      %scan3A_43 = arith.constant 8 : i32
    }
    %scan3A_29 = arith.constant 10 : i32
    %barrier3A_30 = arith.constant 0 : index
    tpu.barrier barrier_id(%barrier3A_30)
    "tpu.region"() ({
      %run_scoped3A_31 = tpu.sem_alloc : memref<!tpu.dma_semaphore, #tpu.memory_space<semaphore_mem>>
      %dma_start3A_32 = arith.constant 0 : i32
      %dma_start3A_33 = tpu.memref_slice %arg6[%arg0, %mul3A_2, %dma_start3A_32] : memref<2x10240x128xf32, #tpu.memory_space<hbm>> -> memref<1x640x128xf32, #tpu.memory_space<hbm>>
      %dma_start3A_34 = tpu.memref_squeeze %dma_start3A_33 : memref<1x640x128xf32, #tpu.memory_space<hbm>> -> memref<640x128xf32, #tpu.memory_space<hbm>>
      %dma_start3A_35 = arith.constant 0 : i32
      %dma_start3A_36 = tpu.memref_slice %arg10[%mul3A_2, %dma_start3A_35] : memref<10240x128xf32, #tpu.memory_space<vmem_shared>> -> memref<640x128xf32, #tpu.memory_space<vmem_shared>>
      tpu.enqueue_dma source(%dma_start3A_36 : memref<640x128xf32, #tpu.memory_space<vmem_shared>>) target(%dma_start3A_34 : memref<640x128xf32, #tpu.memory_space<hbm>>) target_semaphore(%run_scoped3A_31 : memref<!tpu.dma_semaphore, #tpu.memory_space<semaphore_mem>>)
      %dma_wait3A = arith.constant 0 : i32
      %dma_wait3A_37 = tpu.memref_slice %arg6[%arg0, %mul3A_2, %dma_wait3A] : memref<2x10240x128xf32, #tpu.memory_space<hbm>> -> memref<1x640x128xf32, #tpu.memory_space<hbm>>
      %dma_wait3A_38 = tpu.memref_squeeze %dma_wait3A_37 : memref<1x640x128xf32, #tpu.memory_space<hbm>> -> memref<640x128xf32, #tpu.memory_space<hbm>>
      %dma_wait3A_39 = arith.constant 0 : i32
      %dma_wait3A_40 = tpu.memref_slice %arg10[%mul3A_2, %dma_wait3A_39] : memref<10240x128xf32, #tpu.memory_space<vmem_shared>> -> memref<640x128xf32, #tpu.memory_space<vmem_shared>>
      tpu.wait_dma2 semaphore(%run_scoped3A_31 : memref<!tpu.dma_semaphore, #tpu.memory_space<semaphore_mem>>) src(%dma_wait3A_40 : memref<640x128xf32, #tpu.memory_space<vmem_shared>>) dst(%dma_wait3A_38 : memref<640x128xf32, #tpu.memory_space<hbm>>)
      tpu.yield
    }) : () -> ()
    return
  }
}

module attributes {stable_mosaic.version = 14 : i64} {
  func.func @_tc1_body(%arg0: i32, %arg1: memref<512x128xf32, #tpu.memory_space<vmem>>, %arg2: memref<128x128xf32, #tpu.memory_space<vmem>>, %arg3: memref<2x512x16xf32, #tpu.memory_space<vmem>>, %arg4: memref<512x128xf32, #tpu.memory_space<vmem>>) attributes {dimension_semantics = [#tpu.dimension_semantics<arbitrary>], iteration_bounds = array<i64: 20>, scalar_prefetch = 0 : i64, scratch_operands = 0 : i64, tpu.core_type = #tpu.core_type<tc>, window_params = [{transform_indices = @transform_0, window_bounds = array<i64: 512, 128>}, {pipeline_mode = #tpu.pipeline_mode<synchronous>, transform_indices = @transform_1, window_bounds = array<i64: 128, 128>}, {transform_indices = @transform_2, window_bounds = array<i64: 2, 512, 16>}, {transform_indices = @transform_3, window_bounds = array<i64: 512, 128>}]} {
    %get3A = arith.constant 0 : index
    %get3A_0 = arith.constant 0 : index
    %get3A_1 = arith.constant 0 : index
    %get3A_2 = vector.load %arg3[%get3A, %get3A_0, %get3A_1] : memref<2x512x16xf32, #tpu.memory_space<vmem>>, vector<2x512x16xf32>
    %reduce_sum3A = arith.constant dense<0.000000e+00> : vector<512xf32>
    %reduce_sum3A_3 = vector.multi_reduction <add>, %get3A_2, %reduce_sum3A [0, 2] : vector<2x512x16xf32> to vector<512xf32>
    %mul3A = arith.constant 6.250000e-02 : f32
    %mul3A_4 = vector.broadcast %mul3A : f32 to vector<512xf32>
    %mul3A_5 = arith.mulf %reduce_sum3A_3, %mul3A_4 : vector<512xf32>
    %add3A = arith.constant 1.000000e+00 : f32
    %add3A_6 = vector.broadcast %add3A : f32 to vector<512xf32>
    %add3A_7 = arith.addf %mul3A_5, %add3A_6 : vector<512xf32>
    %rsqrt3A = math.rsqrt %add3A_7 : vector<512xf32>
    %get3A_8 = arith.constant 0 : index
    %get3A_9 = arith.constant 0 : index
    %get3A_10 = vector.load %arg1[%get3A_8, %get3A_9] : memref<512x128xf32, #tpu.memory_space<vmem>>, vector<512x128xf32>
    %get3A_11 = arith.constant 0 : index
    %get3A_12 = arith.constant 0 : index
    %get3A_13 = vector.load %arg2[%get3A_11, %get3A_12] : memref<128x128xf32, #tpu.memory_space<vmem>>, vector<128x128xf32>
    %dot_general3A = arith.constant dense<0.000000e+00> : vector<512x128xf32>
    %dot_general3A_14 = tpu.matmul %get3A_10, %get3A_13, %dot_general3A {dimension_numbers = #tpu.dot_dimension_numbers<[1], [0], [0], [1], [0, 0, 1, 1], [], []>, transpose_lhs_hint = false} : vector<512x128xf32>, vector<128x128xf32>, vector<512x128xf32> -> vector<512x128xf32>
    %broadcast_in_dim3A = vector.shape_cast %rsqrt3A : vector<512xf32> to vector<512x1xf32>
    %mul3A_15 = vector.broadcast %broadcast_in_dim3A : vector<512x1xf32> to vector<512x128xf32>
    %mul3A_16 = arith.mulf %dot_general3A_14, %mul3A_15 : vector<512x128xf32>
    %swap3A = arith.constant 0 : index
    %swap3A_17 = arith.constant 0 : index
    %swap3A_18 = vector.load %arg4[%swap3A, %swap3A_17] : memref<512x128xf32, #tpu.memory_space<vmem>>, vector<512x128xf32>
    tpu.vector_store %arg4[%swap3A, %swap3A_17], %mul3A_16 {strides = array<i32>} : memref<512x128xf32, #tpu.memory_space<vmem>>, vector<512x128xf32>,
    return
  }
  func.func @transform_0(%arg0: i32) -> (i32, i32) {
    %c0_i32 = arith.constant 0 : i32
    %c0_i32_0 = arith.constant 0 : i32
    return %arg0, %c0_i32 : i32, i32
  }
  func.func @transform_1(%arg0: i32) -> (i32, i32) {
    %c0_i32 = arith.constant 0 : i32
    %c0_i32_0 = arith.constant 0 : i32
    %c0_i32_1 = arith.constant 0 : i32
    return %c0_i32, %c0_i32_0 : i32, i32
  }
  func.func @transform_2(%arg0: i32) -> (i32, i32, i32) {
    %c0_i32 = arith.constant 0 : i32
    %c0_i32_0 = arith.constant 0 : i32
    %c0_i32_1 = arith.constant 0 : i32
    return %c0_i32, %arg0, %c0_i32_0 : i32, i32, i32
  }
  func.func @transform_3(%arg0: i32) -> (i32, i32) {
    %c0_i32 = arith.constant 0 : i32
    %c0_i32_0 = arith.constant 0 : i32
    return %arg0, %c0_i32 : i32, i32
  }
}

module attributes {stable_mosaic.version = 14 : i64} {
  func.func @_tc2_body(%arg0: i32, %arg1: memref<2x512x128xf32, #tpu.memory_space<vmem>>, %arg2: memref<2x512x16xf32, #tpu.memory_space<vmem>>, %arg3: memref<1x128xf32, #tpu.memory_space<vmem>>, %arg4: memref<128x128xf32, #tpu.memory_space<vmem>>, %arg5: memref<512x128xf32, #tpu.memory_space<vmem>>) attributes {dimension_semantics = [#tpu.dimension_semantics<arbitrary>], iteration_bounds = array<i64: 20>, scalar_prefetch = 0 : i64, scratch_operands = 0 : i64, tpu.core_type = #tpu.core_type<tc>, window_params = [{transform_indices = @transform_0, window_bounds = array<i64: 2, 512, 128>}, {transform_indices = @transform_1, window_bounds = array<i64: 2, 512, 16>}, {pipeline_mode = #tpu.pipeline_mode<synchronous>, transform_indices = @transform_2, window_bounds = array<i64: 1, 128>}, {pipeline_mode = #tpu.pipeline_mode<synchronous>, transform_indices = @transform_3, window_bounds = array<i64: 128, 128>}, {transform_indices = @transform_4, window_bounds = array<i64: 512, 128>}]} {
    %get3A = arith.constant 0 : index
    %get3A_0 = arith.constant 0 : index
    %get3A_1 = arith.constant 0 : index
    %get3A_2 = vector.load %arg2[%get3A, %get3A_0, %get3A_1] : memref<2x512x16xf32, #tpu.memory_space<vmem>>, vector<2x512x16xf32>
    %reduce_sum3A = arith.constant dense<0.000000e+00> : vector<512xf32>
    %reduce_sum3A_3 = vector.multi_reduction <add>, %get3A_2, %reduce_sum3A [0, 2] : vector<2x512x16xf32> to vector<512xf32>
    %mul3A = arith.constant 6.250000e-02 : f32
    %mul3A_4 = vector.broadcast %mul3A : f32 to vector<512xf32>
    %mul3A_5 = arith.mulf %reduce_sum3A_3, %mul3A_4 : vector<512xf32>
    %add3A = arith.constant 1.000000e+00 : f32
    %add3A_6 = vector.broadcast %add3A : f32 to vector<512xf32>
    %add3A_7 = arith.addf %mul3A_5, %add3A_6 : vector<512xf32>
    %rsqrt3A = math.rsqrt %add3A_7 : vector<512xf32>
    %get3A_8 = arith.constant 0 : index
    %get3A_9 = arith.constant 0 : index
    %get3A_10 = arith.constant 0 : index
    %get3A_11 = vector.load %arg1[%get3A_8, %get3A_9, %get3A_10] : memref<2x512x128xf32, #tpu.memory_space<vmem>>, vector<1x512x128xf32>
    %get3A_12 = vector.shape_cast %get3A_11 : vector<1x512x128xf32> to vector<512x128xf32>
    %get3A_13 = arith.constant 1 : index
    %get3A_14 = arith.constant 0 : index
    %get3A_15 = arith.constant 0 : index
    %get3A_16 = vector.load %arg1[%get3A_13, %get3A_14, %get3A_15] : memref<2x512x128xf32, #tpu.memory_space<vmem>>, vector<1x512x128xf32>
    %get3A_17 = vector.shape_cast %get3A_16 : vector<1x512x128xf32> to vector<512x128xf32>
    %add3A_18 = arith.addf %get3A_12, %get3A_17 : vector<512x128xf32>
    %broadcast_in_dim3A = vector.shape_cast %rsqrt3A : vector<512xf32> to vector<512x1xf32>
    %mul3A_19 = vector.broadcast %broadcast_in_dim3A : vector<512x1xf32> to vector<512x128xf32>
    %mul3A_20 = arith.mulf %add3A_18, %mul3A_19 : vector<512x128xf32>
    %get3A_21 = arith.constant 0 : index
    %get3A_22 = arith.constant 0 : index
    %get3A_23 = vector.load %arg3[%get3A_21, %get3A_22] : memref<1x128xf32, #tpu.memory_space<vmem>>, vector<1x128xf32>
    %add3A_24 = vector.broadcast %get3A_23 : vector<1x128xf32> to vector<512x128xf32>
    %add3A_25 = arith.addf %mul3A_20, %add3A_24 : vector<512x128xf32>
    %max3A = arith.constant 0.000000e+00 : f32
    %max3A_26 = vector.broadcast %max3A : f32 to vector<512x128xf32>
    %max3A_27 = arith.maximumf %add3A_25, %max3A_26 : vector<512x128xf32>
    %get3A_28 = arith.constant 0 : index
    %get3A_29 = arith.constant 0 : index
    %get3A_30 = vector.load %arg4[%get3A_28, %get3A_29] : memref<128x128xf32, #tpu.memory_space<vmem>>, vector<128x128xf32>
    %dot_general3A = arith.constant dense<0.000000e+00> : vector<512x128xf32>
    %dot_general3A_31 = tpu.matmul %max3A_27, %get3A_30, %dot_general3A {dimension_numbers = #tpu.dot_dimension_numbers<[1], [0], [0], [1], [0, 0, 1, 1], [], []>, transpose_lhs_hint = false} : vector<512x128xf32>, vector<128x128xf32>, vector<512x128xf32> -> vector<512x128xf32>
    %broadcast_in_dim3A_32 = vector.shape_cast %rsqrt3A : vector<512xf32> to vector<512x1xf32>
    %mul3A_33 = vector.broadcast %broadcast_in_dim3A_32 : vector<512x1xf32> to vector<512x128xf32>
    %mul3A_34 = arith.mulf %dot_general3A_31, %mul3A_33 : vector<512x128xf32>
    %swap3A = arith.constant 0 : index
    %swap3A_35 = arith.constant 0 : index
    %swap3A_36 = vector.load %arg5[%swap3A, %swap3A_35] : memref<512x128xf32, #tpu.memory_space<vmem>>, vector<512x128xf32>
    tpu.vector_store %arg5[%swap3A, %swap3A_35], %mul3A_34 {strides = array<i32>} : memref<512x128xf32, #tpu.memory_space<vmem>>, vector<512x128xf32>,
    return
  }
  func.func @transform_0(%arg0: i32) -> (i32, i32, i32) {
    %c0_i32 = arith.constant 0 : i32
    %c0_i32_0 = arith.constant 0 : i32
    %c0_i32_1 = arith.constant 0 : i32
    return %c0_i32, %arg0, %c0_i32_0 : i32, i32, i32
  }
  func.func @transform_1(%arg0: i32) -> (i32, i32, i32) {
    %c0_i32 = arith.constant 0 : i32
    %c0_i32_0 = arith.constant 0 : i32
    %c0_i32_1 = arith.constant 0 : i32
    return %c0_i32, %arg0, %c0_i32_0 : i32, i32, i32
  }
  func.func @transform_2(%arg0: i32) -> (i32, i32) {
    %c0_i32 = arith.constant 0 : i32
    %c0_i32_0 = arith.constant 0 : i32
    %c0_i32_1 = arith.constant 0 : i32
    return %c0_i32, %c0_i32_0 : i32, i32
  }
  func.func @transform_3(%arg0: i32) -> (i32, i32) {
    %c0_i32 = arith.constant 0 : i32
    %c0_i32_0 = arith.constant 0 : i32
    %c0_i32_1 = arith.constant 0 : i32
    return %c0_i32, %c0_i32_0 : i32, i32
  }
  func.func @transform_4(%arg0: i32) -> (i32, i32) {
    %c0_i32 = arith.constant 0 : i32
    %c0_i32_0 = arith.constant 0 : i32
    return %arg0, %c0_i32 : i32, i32
  }
}

module attributes {stable_mosaic.version = 14 : i64} {
  func.func @_tc3_body(%arg0: i32, %arg1: memref<2x512x128xf32, #tpu.memory_space<vmem>>, %arg2: memref<2x512x16xf32, #tpu.memory_space<vmem>>, %arg3: memref<1x128xf32, #tpu.memory_space<vmem>>, %arg4: memref<512x128xf32, #tpu.memory_space<vmem>>) attributes {dimension_semantics = [#tpu.dimension_semantics<arbitrary>], iteration_bounds = array<i64: 20>, scalar_prefetch = 0 : i64, scratch_operands = 0 : i64, tpu.core_type = #tpu.core_type<tc>, window_params = [{transform_indices = @transform_0, window_bounds = array<i64: 2, 512, 128>}, {transform_indices = @transform_1, window_bounds = array<i64: 2, 512, 16>}, {pipeline_mode = #tpu.pipeline_mode<synchronous>, transform_indices = @transform_2, window_bounds = array<i64: 1, 128>}, {transform_indices = @transform_3, window_bounds = array<i64: 512, 128>}]} {
    %get3A = arith.constant 0 : index
    %get3A_0 = arith.constant 0 : index
    %get3A_1 = arith.constant 0 : index
    %get3A_2 = vector.load %arg2[%get3A, %get3A_0, %get3A_1] : memref<2x512x16xf32, #tpu.memory_space<vmem>>, vector<2x512x16xf32>
    %reduce_sum3A = arith.constant dense<0.000000e+00> : vector<512xf32>
    %reduce_sum3A_3 = vector.multi_reduction <add>, %get3A_2, %reduce_sum3A [0, 2] : vector<2x512x16xf32> to vector<512xf32>
    %mul3A = arith.constant 6.250000e-02 : f32
    %mul3A_4 = vector.broadcast %mul3A : f32 to vector<512xf32>
    %mul3A_5 = arith.mulf %reduce_sum3A_3, %mul3A_4 : vector<512xf32>
    %add3A = arith.constant 1.000000e+00 : f32
    %add3A_6 = vector.broadcast %add3A : f32 to vector<512xf32>
    %add3A_7 = arith.addf %mul3A_5, %add3A_6 : vector<512xf32>
    %rsqrt3A = math.rsqrt %add3A_7 : vector<512xf32>
    %get3A_8 = arith.constant 0 : index
    %get3A_9 = arith.constant 0 : index
    %get3A_10 = arith.constant 0 : index
    %get3A_11 = vector.load %arg1[%get3A_8, %get3A_9, %get3A_10] : memref<2x512x128xf32, #tpu.memory_space<vmem>>, vector<1x512x128xf32>
    %get3A_12 = vector.shape_cast %get3A_11 : vector<1x512x128xf32> to vector<512x128xf32>
    %get3A_13 = arith.constant 1 : index
    %get3A_14 = arith.constant 0 : index
    %get3A_15 = arith.constant 0 : index
    %get3A_16 = vector.load %arg1[%get3A_13, %get3A_14, %get3A_15] : memref<2x512x128xf32, #tpu.memory_space<vmem>>, vector<1x512x128xf32>
    %get3A_17 = vector.shape_cast %get3A_16 : vector<1x512x128xf32> to vector<512x128xf32>
    %add3A_18 = arith.addf %get3A_12, %get3A_17 : vector<512x128xf32>
    %broadcast_in_dim3A = vector.shape_cast %rsqrt3A : vector<512xf32> to vector<512x1xf32>
    %mul3A_19 = vector.broadcast %broadcast_in_dim3A : vector<512x1xf32> to vector<512x128xf32>
    %mul3A_20 = arith.mulf %add3A_18, %mul3A_19 : vector<512x128xf32>
    %get3A_21 = arith.constant 0 : index
    %get3A_22 = arith.constant 0 : index
    %get3A_23 = vector.load %arg3[%get3A_21, %get3A_22] : memref<1x128xf32, #tpu.memory_space<vmem>>, vector<1x128xf32>
    %add3A_24 = vector.broadcast %get3A_23 : vector<1x128xf32> to vector<512x128xf32>
    %add3A_25 = arith.addf %mul3A_20, %add3A_24 : vector<512x128xf32>
    %iota3A = tpu.iota {dimensions = array<i32: 1>} : vector<512x128xi32>
    %lt3A = arith.constant 40 : i32
    %lt3A_26 = vector.broadcast %lt3A : i32 to vector<512x128xi32>
    %lt3A_27 = arith.cmpi slt, %iota3A, %lt3A_26 : vector<512x128xi32>
    %jit3A = arith.constant -1.000000e+30 : f32
    %broadcast_in_dim3A_28 = vector.broadcast %jit3A : f32 to vector<512x128xf32>
    %select_n3A = arith.select %lt3A_27, %add3A_25, %broadcast_in_dim3A_28 : vector<512x128xi1>, vector<512x128xf32>
    %reduce_max3A = arith.constant dense<0xFF800000> : vector<512xf32>
    %reduce_max3A_29 = vector.multi_reduction <maximumf>, %select_n3A, %reduce_max3A [1] : vector<512x128xf32> to vector<512xf32>
    %broadcast_in_dim3A_30 = vector.shape_cast %reduce_max3A_29 : vector<512xf32> to vector<512x1xf32>
    %sub3A = vector.broadcast %broadcast_in_dim3A_30 : vector<512x1xf32> to vector<512x128xf32>
    %sub3A_31 = arith.subf %select_n3A, %sub3A : vector<512x128xf32>
    %exp3A = math.exp %sub3A_31 : vector<512x128xf32>
    %reduce_sum3A_32 = arith.constant dense<0.000000e+00> : vector<512xf32>
    %reduce_sum3A_33 = vector.multi_reduction <add>, %exp3A, %reduce_sum3A_32 [1] : vector<512x128xf32> to vector<512xf32>
    %broadcast_in_dim3A_34 = vector.shape_cast %reduce_sum3A_33 : vector<512xf32> to vector<512x1xf32>
    %log3A = math.log %broadcast_in_dim3A_34 : vector<512x1xf32>
    %sub3A_35 = vector.broadcast %broadcast_in_dim3A_30 : vector<512x1xf32> to vector<512x128xf32>
    %sub3A_36 = arith.subf %add3A_25, %sub3A_35 : vector<512x128xf32>
    %sub3A_37 = vector.broadcast %log3A : vector<512x1xf32> to vector<512x128xf32>
    %sub3A_38 = arith.subf %sub3A_36, %sub3A_37 : vector<512x128xf32>
    %swap3A = arith.constant 0 : index
    %swap3A_39 = arith.constant 0 : index
    %swap3A_40 = vector.load %arg4[%swap3A, %swap3A_39] : memref<512x128xf32, #tpu.memory_space<vmem>>, vector<512x128xf32>
    tpu.vector_store %arg4[%swap3A, %swap3A_39], %sub3A_38 {strides = array<i32>} : memref<512x128xf32, #tpu.memory_space<vmem>>, vector<512x128xf32>,
    return
  }
  func.func @transform_0(%arg0: i32) -> (i32, i32, i32) {
    %c0_i32 = arith.constant 0 : i32
    %c0_i32_0 = arith.constant 0 : i32
    %c0_i32_1 = arith.constant 0 : i32
    return %c0_i32, %arg0, %c0_i32_0 : i32, i32, i32
  }
  func.func @transform_1(%arg0: i32) -> (i32, i32, i32) {
    %c0_i32 = arith.constant 0 : i32
    %c0_i32_0 = arith.constant 0 : i32
    %c0_i32_1 = arith.constant 0 : i32
    return %c0_i32, %arg0, %c0_i32_0 : i32, i32, i32
  }
  func.func @transform_2(%arg0: i32) -> (i32, i32) {
    %c0_i32 = arith.constant 0 : i32
    %c0_i32_0 = arith.constant 0 : i32
    %c0_i32_1 = arith.constant 0 : i32
    return %c0_i32, %c0_i32_0 : i32, i32
  }
  func.func @transform_3(%arg0: i32) -> (i32, i32) {
    %c0_i32 = arith.constant 0 : i32
    %c0_i32_0 = arith.constant 0 : i32
    return %arg0, %c0_i32 : i32, i32
  }
}

</mosaic_0001>

<sc_bundles>
// kernel: kernel.11.cloned.1.call-start
scs
__scs_entry_jumppad:
0x0: {  	(pc) =	sbr.rel $0x88, $3  }
0x1: {  	(tag) =	ssettag $0x0;
	lr =	simm.s32 $0x1  }
0x2: {  	[smem:$0x3F9B] =	sst lr;
	_ =	strace $0xD0000000  }
0x3: {  	_ = 	snop  }
0x4: {  	_ = 	snop  }
0x5: {  	_ = 	snop  }
0x6: {  	_ = 	snop  }
0x7: {  	_ = 	snop  }
__scs_overlays_trampoline_lowered:
0x8: {  	[smem:$0x3FAA] =	sst s0  }
0x9: {  	[smem:$0x3FAB] =	sst s1  }
0xa: {  	[smem:$0x3FAC] =	sst s2  }
0xb: {  	[smem:$0x3FAD] =	sst s3  }
0xc: {  	[smem:$0x3FAE] =	sst s4  }
0xd: {  	[smem:$0x3FAF] =	sst s5  }
0xe: {  	[smem:$0x3FB0] =	sst s6  }
0xf: {  	[smem:$0x3FB1] =	sst s7  }
0x10: {  	[smem:$0x3FB2] =	sst s8  }
0x11: {  	[smem:$0x3FB3] =	sst s9;
	s0 =	simm.s32 @!p0 $0x0  }
0x12: {  	s1 =	sld [smem:$0x3F99];
	s0 =	simm.s32 @p0 $0x1  }
0x13: {  	[smem:$0x3FB4] =	sst s0;
	s0 =	simm.s32 @!p1 $0x0  }
0x14: {  	s2 =	sld [smem:$0x3F98];
	s0 =	simm.s32 @p1 $0x1  }
0x15: {  	[smem:$0x3FB5] =	sst s0;
	s0 =	simm.s32 @!p2 $0x0  }
0x16: {  	s3 =	sld [smem:$0x3FDB];
	s0 =	simm.s32 @p2 $0x1  }
0x17: {  	s4 =	simm.s32 $0x1BF5;
	[smem:$0x3FB7] =	sst s0  }
0x18: {  	s0 =	sld [smem:$0x3F9A];
	_ =	swait.ge [sflag:s4], $0x0  }
0x19: {  	s7 =	sld [smem:$0x3F9B]  }
0x1a: {  	s8 =	sadd.s32 $0xFFFFE003, lr  }
0x1b: {  	s9 =	sadd.s32 $0xFFFFFEF7, lr;
	s5 =	simm.s32 $0xFFFFFFFF;
	p2 =	slt.u32 s8, $0xFFFFF086  }
0x1c: {  	p1 =	slt.u32 s9, $0xF7A;
	s5 =	simm.s32 @!p2 $0x0  }
0x1d: {  	s5 =	simm.s32 @p1 $0x1;
	p0 =	seq.s32 s7, s2  }
0x1e: {  	s7 =	smul.u32 @!p0 $0xF7A, s2;
	p2 =	seq.s32 @!p0 s5, $0x0  }
0x1f: {  	s9 =	smul.u32 $0xF7A, s1;
	s8 =	simm.s32 @!p0 $0x1BF5;
	p2 =	por !p2, p0  }
0x20: {  	[sflag:s8] =	ssyncset.s32 @!p0 $0xFFFFF086;
	s6 =	sadd.s32 @!p0 s3, s7;
	s7 =	simm.s32 @!p0 $0x108  }
0x21: {  	s3 =	sadd.s32 s3, s9;
	s6 =	sadd.s32 @!p0 $0x88, s6;
	s7 =	simm.s32 @p2 $0x1082  }
0x22: {  	[simem:s7], [sflag:s8] =	dma.local @!p0 [hbm:s6], $0xF7A  }
0x23: {  	s9 =	sor.u32 $0xD0000000, s2;
	s6 =	simm.s32 $0x108;
	_ =	swait.ge @!p0 [sflag:s8], $0x0  }
0x24: {  	s3 =	sadd.s32 $0x88, s3;
	s6 =	simm.s32 @!p1 $0x1082;
	[sflag:s4] =	ssyncset.s32 $0xFFFFF086  }
0x25: {  	[simem:s6], [sflag:s4] =	dma.local [hbm:s3], $0xF7A  }
0x26: {  	[smem:$0x3F9B] =	sst s1;
	(tag) =	ssettag s2;
	_ =	strace s9  }
0x27: {  	s1 =	sld [smem:$0x3FAB]  }
0x28: {  	s2 =	sld [smem:$0x3FAC]  }
0x29: {  	s4 =	sld [smem:$0x3FAE]  }
0x2a: {  	p0 =	seq.s32 s5, $0x0;
	s5 =	sld [smem:$0x3FAF]  }
0x2b: {  	s6 =	sld [smem:$0x3FB0]  }
0x2c: {  	s7 =	sld [smem:$0x3FB1]  }
0x2d: {  	s3 =	simm.s32 $0x108;
	s8 =	sld [smem:$0x3FB2]  }
0x2e: {  	s3 =	simm.s32 @!p0 $0x1082;
	s9 =	sld [smem:$0x3FB3]  }
0x2f: {  	lr =	sadd.s32 s0, s3;
	s0 =	sld [smem:$0x3FAA]  }
0x30: {  	s3 =	sld [smem:$0x3FAD]  }
0x31: {  	[smem:$0x3FB6] =	sst s10  }
0x32: {  	s10 =	sld [smem:$0x3FB4];
	_ =	sdelay $0x3  }
0x33: {  	p0 =	seq.s32 s10, $0x1;
	s10 =	sld [smem:$0x3FB6];
	_ =	sdelay $0x3  }
0x34: {  	[smem:$0x3FB6] =	sst s10  }
0x35: {  	s10 =	sld [smem:$0x3FB5];
	_ =	sdelay $0x3  }
0x36: {  	p1 =	seq.s32 s10, $0x1;
	s10 =	sld [smem:$0x3FB6];
	_ =	sdelay $0x3  }
0x37: {  	[smem:$0x3FB6] =	sst s10  }
0x38: {  	s10 =	sld [smem:$0x3FB7]  }
0x39: {  	_ = 	snop;
	(pc) =	sbr.ind lr, $3  }
0x3a: {  	_ = 	snop  }
0x3b: {  	_ = 	snop  }
0x3c: {  	p2 =	seq.s32 s10, $0x1;
	s10 =	sld [smem:$0x3FB6]  }
0x3d: {  	_ =	shalt  }
0x3e: {  	_ =	shalt  }
0x3f: {  	_ =	shalt  }
0x40: {  	_ =	shalt  }
0x41: {  	_ =	shalt  }
0x42: {  	_ =	shalt  }
0x43: {  	_ =	shalt  }
0x44: {  	_ =	shalt  }
0x45: {  	_ =	shalt  }
0x46: {  	_ =	shalt  }
0x47: {  	_ =	shalt  }
0x48: {  	_ =	shalt  }
0x49: {  	_ =	shalt  }
0x4a: {  	_ =	shalt  }
0x4b: {  	_ =	shalt  }
0x4c: {  	_ =	shalt  }
0x4d: {  	_ =	shalt  }
0x4e: {  	_ =	shalt  }
0x4f: {  	_ =	shalt  }
0x50: {  	_ =	shalt  }
0x51: {  	_ =	shalt  }
0x52: {  	_ =	shalt  }
0x53: {  	_ =	shalt  }
0x54: {  	_ =	shalt  }
0x55: {  	_ =	shalt  }
0x56: {  	_ =	shalt  }
0x57: {  	_ =	shalt  }
0x58: {  	_ =	shalt  }
0x59: {  	_ =	shalt  }
0x5a: {  	_ =	shalt  }
0x5b: {  	_ =	shalt  }
0x5c: {  	_ =	shalt  }
0x5d: {  	_ =	shalt  }
0x5e: {  	_ =	shalt  }
0x5f: {  	_ =	shalt  }
0x60: {  	_ =	shalt  }
0x61: {  	_ =	shalt  }
0x62: {  	_ =	shalt  }
0x63: {  	_ =	shalt  }
0x64: {  	_ =	shalt  }
0x65: {  	_ =	shalt  }
0x66: {  	_ =	shalt  }
0x67: {  	_ =	shalt  }
0x68: {  	_ =	shalt  }
0x69: {  	_ =	shalt  }
0x6a: {  	_ =	shalt  }
0x6b: {  	_ =	shalt  }
0x6c: {  	_ =	shalt  }
0x6d: {  	_ =	shalt  }
0x6e: {  	_ =	shalt  }
0x6f: {  	_ =	shalt  }
0x70: {  	_ =	shalt  }
0x71: {  	_ =	shalt  }
0x72: {  	_ =	shalt  }
0x73: {  	_ =	shalt  }
0x74: {  	_ =	shalt  }
0x75: {  	_ =	shalt  }
0x76: {  	_ =	shalt  }
0x77: {  	_ =	shalt  }
0x78: {  	_ =	shalt  }
0x79: {  	_ =	shalt  }
0x7a: {  	_ =	shalt  }
0x7b: {  	_ =	shalt  }
0x7c: {  	_ =	shalt  }
0x7d: {  	_ =	shalt  }
0x7e: {  	_ =	shalt  }
0x7f: {  	_ =	shalt  }
0x80: {  	_ =	shalt  }
0x81: {  	_ =	shalt  }
0x82: {  	_ =	shalt  }
0x83: {  	_ =	shalt  }
0x84: {  	_ =	shalt  }
0x85: {  	_ =	shalt  }
0x86: {  	_ =	shalt  }
0x87: {  	_ =	shalt  }
.Lfunc_end0:
.L_simem_size_0:
called_computation.1_lowered:
.L_overlay_start_0:
0x88: {  	s2 =	sld [smem:$0x3FD9]  }
0x89: {  	s3 =	sld [smem:$0x3FFE];
	_ =	sdelay $0x1  }
0x8a: {  	s1 =	srdreg.scid  }
0x8b: {  	s0 =	sand.u32 $0x1, s1  }
0x8c: {  	s17 =	sshll.u32 s0, $0xA;
	s2 =	sadd.s32 s3, s2  }
0x8d: {  	s2 =	sadd.s32 s2, s17  }
0x8e: {  	[smem:$0x3FC2] =	sst s2  }
0x8f: {  	_ = 	snop  }
0x90: {  	s2 =	sld [smem:$0x3FD0];
	(tm) =	ssettm $0x1  }
0x91: {  	s18 =	sld [smem:$0x3FFB];
	_ =	sdelay $0x3  }
0x92: {  	_ =	strace s18  }
0x93: {  	s3 =	sld [smem:$0x3FFC];
	_ =	sdelay $0x3  }
0x94: {  	_ =	strace s3  }
0x95: {  	s3 =	sld [smem:$0x3FFD];
	_ =	sdelay $0x3  }
0x96: {  	_ =	strace s3  }
0x97: {  	_ =	strace $0x8FFFFFFF  }
0x98: {  	s19 =	sld [smem:$0x3FDB];
	_ =	sdelay $0x1  }
0x99: {  	s4 =	simm.s32 $_scs_section_size  }
0x9a: {  	s5 =	simm.s32 $_size__tile_overlayer_lowered;
	s6 =	simm.s32 $_tile_overlayer_lowered  }
0x9b: {  	s22 =	simm.s32 $0x1BFF;
	s21 =	sshll.u32 s6, $0x1;
	s3 =	sadd.s32 s4, s19  }
0x9c: {  	s7 =	simm.s32 $0x0;
	s20 =	sshll.u32 s5, $0x1;
	s5 =	sadd.s32 s21, s3  }
0x9d: {  	[timem:s7], [sflag:s22] =	dma.local [hbm:s5], s20  }
0x9e: {  	_ =	swait.ge [sflag:s22], s20  }
0x9f: {  	s4 =	ssub.s32 $0x0, s20;
	[sflag:s22] =	ssyncset.done $0x0  }
0xa0: {  	[sflag:s22] =	ssyncadd.s32 s4;
	_ =	sdelay $0x1  }
0xa1: {  	s23 =	simm.s32 $0x1B8B  }
0xa2: {  	_ =	swait.ge [sflag:s23], $0x1  }
0xa3: {  	[sflag:s23] =	ssyncset.done $0x0  }
0xa4: {  	s25 =	simm.s32 $0x1B8E;
	s24 =	sld [smem:$0x3FFE];
	[sflag:s23] =	ssyncadd.s32 $0xFFFFFFFF  }
0xa5: {  	s26 =	simm.s32 $execute0_lowered;
	[smem:$0x3FD2] =	sst s25  }
0xa6: {  	s5 =	sshll.u32 s26, $0x1;
	_ =	strace $0x80000049;
	[dreg:$0x1] =	wrdreg $0xFFFFFFFF  }
0xa7: {  	s28 =	simm.s32 $_size_execute0_lowered;
	s3 =	sadd.s32 s3, s5;
	[dreg:$0x0] =	wrdreg $0x0  }
0xa8: {  	s5 =	sshll.u32 s28, $0x1;
	[dreg:$0x2] =	wrdreg s3  }
0xa9: {  	[dreg:$0x3] =	wrdreg s5  }
0xaa: {  	[dreg:$0x4] =	wrdreg $0xC0  }
0xab: {  	_ =	task [dreg:s7], $0x5FFFF  }
0xac: {  	[dreg:$0x1] =	wrdreg $0xFFFFFFFF  }
0xad: {  	[dreg:$0x0] =	wrdreg $0x60  }
0xae: {  	[dreg:$0x2] =	wrdreg s24  }
0xaf: {  	[dreg:$0x3] =	wrdreg s2  }
0xb0: {  	[dreg:$0x4] =	wrdreg $0x90000  }
0xb1: {  	[dreg:$0x5] =	wrdreg $0x9  }
0xb2: {  	_ =	task.clear_ibuf [dreg:s7], $0x6FFFF;
	_ =	strace $0x90000049  }
0xb3: {  	s29 =	simm.s32 $0x9;
	_ =	strace $0x8000004B  }
0xb4: {  	_ =	swait.ge [sflag:s29], $0x1  }
0xb5: {  	[sflag:s29] =	ssyncadd.s32 $0xFFFFFFFF  }
0xb6: {  	_ =	strace $0x9000004B  }
0xb7: {  	_ =	sfence  }
0xb8: {  	s30 =	sld [smem:$0x0];
	_ =	sdelay $0x2  }
0xb9: {  	s31 =	sshll.u32 s1, $0xD;
	s1 =	sshrl.u32 s1, $0x2  }
0xba: {  	s3 =	sand.u32 $0x4000, s31;
	s1 =	sadd.s32 s1, s30  }
0xbb: {  	s0 =	sor.u32 s3, s0;
	s1 =	sshll.u32 s1, $0x11  }
0xbc: {  	s0 =	sor.u32 s1, s0  }
0xbd: {  	s0 =	sadd.s32 $0x8F2B, s0  }
0xbe: {  	[sflag:s0] =	ssyncadd.remote.s32 $0x1  }
0xbf: {  	_ =	sfence.sel $0xFFFF  }
0xc0: {  	[dreg:$0x0] =	wrdreg $0xFFFFFFFF;
	(pc) =	sbr.abs _section_cstart, $3  }
0xc1: {  	[dreg:$0x1] =	wrdreg $0xFFFFFFFF  }
0xc2: {  	_ =	task.clear_ibuf [dreg:s7], $0x2FFFF;
	_ =	strace $0x9FFFFFFF  }
0xc3: {  	(tm) =	ssettm $0x7FFFFFFF  }
tec
execute0_lowered:
.L_overlay_start_1:
0x0: {  	(tag) =	ssettag $0x1  }
0x1: {  	s5 =	rddreg [dreg:$0x0]  }
0x2: {  	s9 =	rddreg [dreg:$0x1]  }
0x3: {  	s1 =	rddreg [dreg:$0x2]  }
0x4: {  	s0 =	rddreg [dreg:$0x3]  }
0x5: {  	s3 =	simm.s32 $0x0;
	s2 =	srdreg.scid;
	s17 =	simm.s32 $0x1  }
0x6: {  	s18 =	simm.s32 $0x2;
	[smem:$0x7FF] =	sst s3;
	s6 =	sand.u32 $0x1, s2  }
0x7: {  	s19 =	simm.s32 $0x0;
	s2 =	stileid.u32;
	s7 =	smul.u32 $0x140000, s6  }
0x8: {  	s4 =	sadd.s32 $0x6B000, s5;
	s10 =	sadd.s32 $0x11000, s5;
	s8 =	smul.u32 $0x14000, s2  }
0x9: {  	s13 =	sadd.s32 $0x93000, s5;
	_ =	strace $0x8000004A;
	s12 =	smul.u32 $0x50000, s2  }
0xa: {  	s11 =	sshll.u32 s6, $0x4;
	s14 =	smul.u32 $0x2800, s2;
	s26 =	ssub.s32 $0x2, s6  }
0xb: {  	s16 =	smul.u32 $0x28000, s6;
	p0 =	seq.s32 s6, $0x0;
	s31 =	sshll.u32 s2, $0x6  }
0xc: {  	s11 =	sor.u32 s2, s11;
	s15 =	sshrl.u32 s26, $0x1;
	s13 =	smov.u32 @p0 s4  }
0xd: {  	s7 =	sadd.s32 s8, s7;
	s11 =	smul.u32 $0x2800, s11;
	s8 =	ssub.s32 s26, s15  }
0xe: {  	s28 =	sshrl.u32 s12, $0x2;
	s30 =	sadd.s32 s14, s16;
	s15 =	simm.s32 $0x1000  }
0xf: {  	s16 =	simm.s32 $0x5000;
	s7 =	sshrl.u32 s7, $0x3;
	s12 =	sadd.s32 s28, s1  }
0x10: {  	s8 =	smax.u32 s8, $0x1;
	s29 =	sshrl.u32 s11, $0x3;
	s11 =	sor.u32 $0x400, s30  }
0x11: {  	s7 =	sadd.s32 s7, s5;
	s5 =	sadd.s32 s10, s29;
	s11 =	sshrl.u32 s11, $0x3  }
0x12: {  	s6 =	sadd.s32 s9, s29;
	s7 =	sadd.s32 $0xBB000, s7;
	s9 =	sadd.s32 s11, s9  }
0x13: {  	s11 =	sadd.s32 s11, s10;
	s10 =	sor.u32 $0x1C03, s31;
	[dreg:$0x5] =	wrdreg s9  }
0x14: {  	s9 =	sadd.s32 s13, s14;
	[dreg:$0x4] =	wrdreg s11;
	s11 =	sshrl.u32 s12, $0x3  }
0x15: {  	s12 =	simm.s32 $0x3;
	s13 =	simm.s32 $0x800;
	s14 =	simm.s32 $0x80  }
.LBB2_1:
0x16: {  	[spmem:s11], [sflag:s10] =	dma.local [hbm:s9], $0x2800  }
0x17: {  	_ =	swait.ge [sflag:s12], $0x2800  }
0x18: {  	[sflag:s12] =	ssyncset.done $0x0  }
0x19: {  	[sflag:s12] =	ssyncadd.s32 $0xFFFFD800  }
0x1a: {  	[tilespmem:s3], [sflag:$0x3] =	stream.linear.gather [hbm4b:s5+s3], $0x400, $0x38;
	[tilespmem:$0x1D000] =	vst v63  }
0x1b: {  	_ =	swait.ge [sflag:s12], $0x400  }
0x1c: {  	[sflag:s12] =	ssyncset.done $0x0  }
0x1d: {  	[sflag:s12] =	ssyncadd.s32 $0xFFFFFC00  }
0x1e: {  	[tilespmem:s13], [sflag:$0x3] =	stream.linear.gather [hbm4b:s6+s3], $0x400, $0x38;
	[tilespmem:$0x1D000] =	vst v63  }
0x1f: {  	_ =	swait.ge [sflag:s12], $0x400  }
0x20: {  	[sflag:s12] =	ssyncset.done $0x0  }
0x21: {  	[sflag:s12] =	ssyncadd.s32 $0xFFFFFC00  }
0x22: {  	s20 =	simm.s32 $0x400;
	p0 =	por $0x0, $0x0;
	[bflag:$0x0] =	sbarrier.arrive $0xFFFF  }
0x23: {  	[tilespmem:s15], [sflag:$0x1] =	stream.indirect.gather [hbm4b:s4+s14], $0x80, s3, s14, $0xb8;
	[tilespmem:$0x1D000] =	vst v63  }
0x24: {  	s22 =	sand.u32 @!p0 $0x400, s20;
	s21 =	rddreg [dreg:$0x4]  }
0x25: {  	s23 =	simm.s32 @!p0 $0x0;
	s24 =	simm.s32 @!p0 $0x3;
	s21 =	sadd.s32 @!p0 $0x0, s21  }
0x26: {  	[tilespmem:s22], [sflag:$0x3] =	stream.linear.gather @!p0 [hbm4b:s21+s23], $0x400, $0x38;
	[tilespmem:$0x1D000] =	vst v63  }
0x27: {  	_ =	swait.ge @!p0 [sflag:s24], $0x400  }
0x28: {  	s21 =	rddreg [dreg:$0x5];
	[sflag:s24] =	ssyncset.done @!p0 $0x0  }
0x29: {  	s22 =	sor.u32 @!p0 $0x800, s22;
	[sflag:s24] =	ssyncadd.s32 @!p0 $0xFFFFFC00;
	s21 =	sadd.s32 @!p0 $0x0, s21  }
0x2a: {  	[tilespmem:s22], [sflag:$0x3] =	stream.linear.gather @!p0 [hbm4b:s21+s23], $0x400, $0x38;
	[tilespmem:$0x1D000] =	vst v63  }
0x2b: {  	s22 =	sand.u32 $0x1000, s3;
	_ =	swait.ge @!p0 [sflag:s24], $0x400  }
0x2c: {  	s21 =	sshrl.u32 s22, $0x2;
	[sflag:s24] =	ssyncset.done @!p0 $0x0  }
0x2d: {  	[sflag:s24] =	ssyncadd.s32 @!p0 $0xFFFFFC00;
	s24 =	sor.u32 $0x80, s21  }
0x2e: {  	[tilespmem:s16], [sflag:$0x2] =	stream.indirect.gather [hbm4b:s4+s14], $0x80, s24, s14, $0xb8;
	[tilespmem:$0x1D000] =	vst v63  }
0x2f: {  	_ =	swait.ge [sflag:s17], $0x4000  }
0x30: {  	[sflag:s17] =	ssyncset.done $0x0  }
0x31: {  	s25 =	sor.u32 $0x800, s21;
	[sflag:s17] =	ssyncadd.s32 $0xFFFFC000  }
0x32: {  	[spmem:s1] =	stream.indirect.scatter.add.f32 [tilespmem:s15], [sflag:$0x3], $0x80, s25, s14, $0xb8;
	[tilespmem:$0x1D000] =	vst v63  }
0x33: {  	_ =	swait.ge [sflag:s12], $0x4000  }
0x34: {  	[sflag:s12] =	ssyncset.done $0x0  }
0x35: {  	s26 =	sor.u32 $0x100, s21;
	[sflag:s12] =	ssyncadd.s32 $0xFFFFC000  }
0x36: {  	[tilespmem:s15], [sflag:$0x1] =	stream.indirect.gather [hbm4b:s4+s14], $0x80, s26, s14, $0xb8;
	[tilespmem:$0x1D000] =	vst v63  }
0x37: {  	_ =	swait.ge [sflag:s18], $0x4000  }
0x38: {  	[sflag:s18] =	ssyncset.done $0x0  }
0x39: {  	s28 =	sor.u32 $0x880, s21;
	[sflag:s18] =	ssyncadd.s32 $0xFFFFC000  }
0x3a: {  	[spmem:s1] =	stream.indirect.scatter.add.f32 [tilespmem:s16], [sflag:$0x3], $0x80, s28, s14, $0xb8;
	[tilespmem:$0x1D000] =	vst v63  }
0x3b: {  	_ =	swait.ge [sflag:s12], $0x4000  }
0x3c: {  	[sflag:s12] =	ssyncset.done $0x0  }
0x3d: {  	s29 =	sor.u32 $0x180, s21;
	[sflag:s12] =	ssyncadd.s32 $0xFFFFC000  }
0x3e: {  	[tilespmem:s16], [sflag:$0x2] =	stream.indirect.gather [hbm4b:s4+s14], $0x80, s29, s14, $0xb8;
	[tilespmem:$0x1D000] =	vst v63  }
0x3f: {  	_ =	swait.ge [sflag:s17], $0x4000  }
0x40: {  	[sflag:s17] =	ssyncset.done $0x0  }
0x41: {  	s30 =	sor.u32 $0x900, s21;
	[sflag:s17] =	ssyncadd.s32 $0xFFFFC000  }
0x42: {  	[spmem:s1] =	stream.indirect.scatter.add.f32 [tilespmem:s15], [sflag:$0x3], $0x80, s30, s14, $0xb8;
	[tilespmem:$0x1D000] =	vst v63  }
0x43: {  	_ =	swait.ge [sflag:s12], $0x4000  }
0x44: {  	[sflag:s12] =	ssyncset.done $0x0  }
0x45: {  	s31 =	sor.u32 $0x200, s21;
	[sflag:s12] =	ssyncadd.s32 $0xFFFFC000  }
0x46: {  	[tilespmem:s15], [sflag:$0x1] =	stream.indirect.gather [hbm4b:s4+s14], $0x80, s31, s14, $0xb8;
	[tilespmem:$0x1D000] =	vst v63  }
0x47: {  	_ =	swait.ge [sflag:s18], $0x4000  }
0x48: {  	[sflag:s18] =	ssyncset.done $0x0  }
0x49: {  	s24 =	sor.u32 $0x980, s21;
	[sflag:s18] =	ssyncadd.s32 $0xFFFFC000  }
0x4a: {  	[spmem:s1] =	stream.indirect.scatter.add.f32 [tilespmem:s16], [sflag:$0x3], $0x80, s24, s14, $0xb8;
	[tilespmem:$0x1D000] =	vst v63  }
0x4b: {  	_ =	swait.ge [sflag:s12], $0x4000  }
0x4c: {  	[sflag:s12] =	ssyncset.done $0x0  }
0x4d: {  	s25 =	sor.u32 $0x280, s21;
	[sflag:s12] =	ssyncadd.s32 $0xFFFFC000  }
0x4e: {  	[tilespmem:s16], [sflag:$0x2] =	stream.indirect.gather [hbm4b:s4+s14], $0x80, s25, s14, $0xb8;
	[tilespmem:$0x1D000] =	vst v63  }
0x4f: {  	_ =	swait.ge [sflag:s17], $0x4000  }
0x50: {  	[sflag:s17] =	ssyncset.done $0x0  }
0x51: {  	s26 =	sor.u32 $0xA00, s21;
	[sflag:s17] =	ssyncadd.s32 $0xFFFFC000  }
0x52: {  	[spmem:s1] =	stream.indirect.scatter.add.f32 [tilespmem:s15], [sflag:$0x3], $0x80, s26, s14, $0xb8;
	[tilespmem:$0x1D000] =	vst v63  }
0x53: {  	_ =	swait.ge [sflag:s12], $0x4000  }
0x54: {  	[sflag:s12] =	ssyncset.done $0x0  }
0x55: {  	s28 =	sor.u32 $0x300, s21;
	[sflag:s12] =	ssyncadd.s32 $0xFFFFC000  }
0x56: {  	[tilespmem:s15], [sflag:$0x1] =	stream.indirect.gather [hbm4b:s4+s14], $0x80, s28, s14, $0xb8;
	[tilespmem:$0x1D000] =	vst v63  }
0x57: {  	_ =	swait.ge [sflag:s18], $0x4000  }
0x58: {  	[sflag:s18] =	ssyncset.done $0x0  }
0x59: {  	s29 =	sor.u32 $0xA80, s21;
	[sflag:s18] =	ssyncadd.s32 $0xFFFFC000  }
0x5a: {  	[spmem:s1] =	stream.indirect.scatter.add.f32 [tilespmem:s16], [sflag:$0x3], $0x80, s29, s14, $0xb8;
	[tilespmem:$0x1D000] =	vst v63  }
0x5b: {  	_ =	swait.ge [sflag:s12], $0x4000  }
0x5c: {  	[sflag:s12] =	ssyncset.done $0x0  }
0x5d: {  	s30 =	sor.u32 $0x380, s21;
	[sflag:s12] =	ssyncadd.s32 $0xFFFFC000  }
0x5e: {  	[tilespmem:s16], [sflag:$0x2] =	stream.indirect.gather [hbm4b:s4+s14], $0x80, s30, s14, $0xb8;
	[tilespmem:$0x1D000] =	vst v63  }
0x5f: {  	_ =	swait.ge [sflag:s17], $0x4000  }
0x60: {  	[sflag:s17] =	ssyncset.done $0x0  }
0x61: {  	s31 =	sor.u32 $0xB00, s21;
	[sflag:s17] =	ssyncadd.s32 $0xFFFFC000  }
0x62: {  	[spmem:s1] =	stream.indirect.scatter.add.f32 [tilespmem:s15], [sflag:$0x3], $0x80, s31, s14, $0xb8;
	[tilespmem:$0x1D000] =	vst v63  }
0x63: {  	p0 =	por $0x0, $0x0;
	_ =	swait.ge [sflag:s12], $0x4000  }
0x64: {  	s22 =	sxor.u32 @!p0 $0x1000, s22;
	s23 =	simm.s32 @!p0 $0x80;
	[sflag:s12] =	ssyncset.done $0x0  }
0x65: {  	s22 =	sshrl.u32 @!p0 s22, $0x2;
	s24 =	simm.s32 @!p0 $0x1000;
	[sflag:s12] =	ssyncadd.s32 $0xFFFFC000  }
0x66: {  	[tilespmem:s24], [sflag:$0x1] =	stream.indirect.gather @!p0 [hbm4b:s4+s23], $0x80, s22, s23, $0xb8;
	[tilespmem:$0x1D000] =	vst v63  }
0x67: {  	_ =	swait.ge [sflag:s18], $0x4000  }
0x68: {  	[sflag:s18] =	ssyncset.done $0x0  }
0x69: {  	s21 =	sadd.s32 $0xB80, s21;
	s22 =	simm.s32 $0x0;
	[sflag:s18] =	ssyncadd.s32 $0xFFFFC000  }
0x6a: {  	[spmem:s1] =	stream.indirect.scatter.add.f32 [tilespmem:s16], [sflag:$0x3], $0x80, s21, s14, $0xb8;
	[tilespmem:$0x1D000] =	vst v63  }
0x6b: {  	s23 =	simm.s32 $0x0;
	s21 =	simm.s32 $0x80;
	_ =	swait.ge [sflag:s12], $0x4000  }
.LBB2_2:
0x6c: {  	s25 =	smov.u32 s21  }
0x6d: {  	s20 =	sadd.s32 $0x400, s20;
	[sflag:s12] =	ssyncset.done $0x0;
	p2 =	seq.s32 s25, $0x480  }
0x6e: {  	s24 =	rddreg [dreg:$0x4];
	[sflag:s12] =	ssyncadd.s32 $0xFFFFC000;
	s26 =	sand.u32 @!p2 $0x400, s20  }
0x6f: {  	s24 =	sadd.s32 @!p2 s25, s24;
	s28 =	simm.s32 @!p2 $0x0;
	s29 =	simm.s32 @!p2 $0x3  }
0x70: {  	[tilespmem:s26], [sflag:$0x3] =	stream.linear.gather @!p2 [hbm4b:s24+s28], $0x400, $0x38;
	[tilespmem:$0x1D000] =	vst v63  }
0x71: {  	_ =	swait.ge @!p2 [sflag:s29], $0x400  }
0x72: {  	s24 =	sor.u32 @!p2 $0x800, s26;
	[sflag:s29] =	ssyncset.done @!p2 $0x0;
	s26 =	rddreg [dreg:$0x5]  }
0x73: {  	s22 =	sadd.s32 $0x1000, s22;
	[sflag:s29] =	ssyncadd.s32 @!p2 $0xFFFFFC00;
	s25 =	sadd.s32 @!p2 s25, s26  }
0x74: {  	[tilespmem:s24], [sflag:$0x3] =	stream.linear.gather @!p2 [hbm4b:s25+s28], $0x400, $0x38;
	[tilespmem:$0x1D000] =	vst v63  }
0x75: {  	s25 =	sand.u32 $0x1000, s22;
	_ =	swait.ge @!p2 [sflag:s29], $0x400  }
0x76: {  	s24 =	sshrl.u32 s25, $0x2;
	[sflag:s29] =	ssyncset.done @!p2 $0x0  }
0x77: {  	s30 =	sor.u32 $0x80, s24;
	[sflag:s29] =	ssyncadd.s32 @!p2 $0xFFFFFC00  }
0x78: {  	[tilespmem:s16], [sflag:$0x2] =	stream.indirect.gather [hbm4b:s4+s14], $0x80, s30, s14, $0xb8;
	[tilespmem:$0x1D000] =	vst v63  }
0x79: {  	_ =	swait.ge [sflag:s17], $0x4000  }
0x7a: {  	[sflag:s17] =	ssyncset.done $0x0  }
0x7b: {  	s31 =	sor.u32 $0x800, s24;
	[sflag:s17] =	ssyncadd.s32 $0xFFFFC000  }
0x7c: {  	[spmem:s1] =	stream.indirect.scatter.add.f32 [tilespmem:s15], [sflag:$0x3], $0x80, s31, s14, $0xb8;
	[tilespmem:$0x1D000] =	vst v63  }
0x7d: {  	_ =	swait.ge [sflag:s12], $0x4000  }
0x7e: {  	[sflag:s12] =	ssyncset.done $0x0  }
0x7f: {  	s28 =	sor.u32 $0x100, s24;
	[sflag:s12] =	ssyncadd.s32 $0xFFFFC000  }
0x80: {  	[tilespmem:s15], [sflag:$0x1] =	stream.indirect.gather [hbm4b:s4+s14], $0x80, s28, s14, $0xb8;
	[tilespmem:$0x1D000] =	vst v63  }
0x81: {  	_ =	swait.ge [sflag:s18], $0x4000  }
0x82: {  	[sflag:s18] =	ssyncset.done $0x0  }
0x83: {  	s29 =	sor.u32 $0x880, s24;
	[sflag:s18] =	ssyncadd.s32 $0xFFFFC000  }
0x84: {  	[spmem:s1] =	stream.indirect.scatter.add.f32 [tilespmem:s16], [sflag:$0x3], $0x80, s29, s14, $0xb8;
	[tilespmem:$0x1D000] =	vst v63  }
0x85: {  	_ =	swait.ge [sflag:s12], $0x4000  }
0x86: {  	[sflag:s12] =	ssyncset.done $0x0  }
0x87: {  	s30 =	sor.u32 $0x180, s24;
	[sflag:s12] =	ssyncadd.s32 $0xFFFFC000  }
0x88: {  	[tilespmem:s16], [sflag:$0x2] =	stream.indirect.gather [hbm4b:s4+s14], $0x80, s30, s14, $0xb8;
	[tilespmem:$0x1D000] =	vst v63  }
0x89: {  	_ =	swait.ge [sflag:s17], $0x4000  }
0x8a: {  	[sflag:s17] =	ssyncset.done $0x0  }
0x8b: {  	s31 =	sor.u32 $0x900, s24;
	[sflag:s17] =	ssyncadd.s32 $0xFFFFC000  }
0x8c: {  	[spmem:s1] =	stream.indirect.scatter.add.f32 [tilespmem:s15], [sflag:$0x3], $0x80, s31, s14, $0xb8;
	[tilespmem:$0x1D000] =	vst v63  }
0x8d: {  	_ =	swait.ge [sflag:s12], $0x4000  }
0x8e: {  	[sflag:s12] =	ssyncset.done $0x0  }
0x8f: {  	s28 =	sor.u32 $0x200, s24;
	[sflag:s12] =	ssyncadd.s32 $0xFFFFC000  }
0x90: {  	[tilespmem:s15], [sflag:$0x1] =	stream.indirect.gather [hbm4b:s4+s14], $0x80, s28, s14, $0xb8;
	[tilespmem:$0x1D000] =	vst v63  }
0x91: {  	_ =	swait.ge [sflag:s18], $0x4000  }
0x92: {  	[sflag:s18] =	ssyncset.done $0x0  }
0x93: {  	s29 =	sor.u32 $0x980, s24;
	[sflag:s18] =	ssyncadd.s32 $0xFFFFC000  }
0x94: {  	[spmem:s1] =	stream.indirect.scatter.add.f32 [tilespmem:s16], [sflag:$0x3], $0x80, s29, s14, $0xb8;
	[tilespmem:$0x1D000] =	vst v63  }
0x95: {  	_ =	swait.ge [sflag:s12], $0x4000  }
0x96: {  	[sflag:s12] =	ssyncset.done $0x0  }
0x97: {  	s30 =	sor.u32 $0x280, s24;
	[sflag:s12] =	ssyncadd.s32 $0xFFFFC000  }
0x98: {  	[tilespmem:s16], [sflag:$0x2] =	stream.indirect.gather [hbm4b:s4+s14], $0x80, s30, s14, $0xb8;
	[tilespmem:$0x1D000] =	vst v63  }
0x99: {  	_ =	swait.ge [sflag:s17], $0x4000  }
0x9a: {  	[sflag:s17] =	ssyncset.done $0x0  }
0x9b: {  	s31 =	sor.u32 $0xA00, s24;
	[sflag:s17] =	ssyncadd.s32 $0xFFFFC000  }
0x9c: {  	[spmem:s1] =	stream.indirect.scatter.add.f32 [tilespmem:s15], [sflag:$0x3], $0x80, s31, s14, $0xb8;
	[tilespmem:$0x1D000] =	vst v63  }
0x9d: {  	_ =	swait.ge [sflag:s12], $0x4000  }
0x9e: {  	[sflag:s12] =	ssyncset.done $0x0  }
0x9f: {  	s28 =	sor.u32 $0x300, s24;
	[sflag:s12] =	ssyncadd.s32 $0xFFFFC000  }
0xa0: {  	[tilespmem:s15], [sflag:$0x1] =	stream.indirect.gather [hbm4b:s4+s14], $0x80, s28, s14, $0xb8;
	[tilespmem:$0x1D000] =	vst v63  }
0xa1: {  	_ =	swait.ge [sflag:s18], $0x4000  }
0xa2: {  	[sflag:s18] =	ssyncset.done $0x0  }
0xa3: {  	s29 =	sor.u32 $0xA80, s24;
	[sflag:s18] =	ssyncadd.s32 $0xFFFFC000  }
0xa4: {  	[spmem:s1] =	stream.indirect.scatter.add.f32 [tilespmem:s16], [sflag:$0x3], $0x80, s29, s14, $0xb8;
	[tilespmem:$0x1D000] =	vst v63  }
0xa5: {  	_ =	swait.ge [sflag:s12], $0x4000  }
0xa6: {  	[sflag:s12] =	ssyncset.done $0x0  }
0xa7: {  	s30 =	sor.u32 $0x380, s24;
	[sflag:s12] =	ssyncadd.s32 $0xFFFFC000  }
0xa8: {  	[tilespmem:s16], [sflag:$0x2] =	stream.indirect.gather [hbm4b:s4+s14], $0x80, s30, s14, $0xb8;
	[tilespmem:$0x1D000] =	vst v63  }
0xa9: {  	_ =	swait.ge [sflag:s17], $0x4000  }
0xaa: {  	s21 =	sadd.s32 $0x80, s21;
	[sflag:s17] =	ssyncset.done $0x0  }
0xab: {  	s23 =	sadd.s32 $0x1, s23;
	s31 =	sor.u32 $0xB00, s24;
	[sflag:s17] =	ssyncadd.s32 $0xFFFFC000  }
0xac: {  	[spmem:s1] =	stream.indirect.scatter.add.f32 [tilespmem:s15], [sflag:$0x3], $0x80, s31, s14, $0xb8;
	[tilespmem:$0x1D000] =	vst v63  }
0xad: {  	p0 =	sne.s32 s21, $0x500;
	p1 =	sgt.u32 s23, $0x8;
	_ =	swait.ge [sflag:s12], $0x4000  }
0xae: {  	s26 =	simm.s32 @!p1 $0x80;
	s25 =	sxor.u32 @!p1 $0x1000, s25;
	[sflag:s12] =	ssyncset.done $0x0  }
0xaf: {  	s25 =	sshrl.u32 @!p1 s25, $0x2;
	s28 =	simm.s32 @!p1 $0x1000;
	[sflag:s12] =	ssyncadd.s32 $0xFFFFC000  }
0xb0: {  	[tilespmem:s28], [sflag:$0x1] =	stream.indirect.gather @!p1 [hbm4b:s4+s26], $0x80, s25, s26, $0xb8;
	[tilespmem:$0x1D000] =	vst v63  }
.Ltmp0:
0xb1: {  	_ =	swait.ge [sflag:s18], $0x4000;
	(pc) =	sbr.rel @p0 .LBB2_2-.Ltmp0, $4  }
0xb2: {  	[sflag:s18] =	ssyncset.done $0x0  }
0xb3: {  	s24 =	sadd.s32 $0xB80, s24;
	[sflag:s18] =	ssyncadd.s32 $0xFFFFC000  }
0xb4: {  	[spmem:s1] =	stream.indirect.scatter.add.f32 [tilespmem:s16], [sflag:$0x3], $0x80, s24, s14, $0xb8;
	[tilespmem:$0x1D000] =	vst v63  }
0xb5: {  	_ =	swait.ge [sflag:s12], $0x4000  }
0xb6: {  	[sflag:s12] =	ssyncset.done $0x0;
	s19 =	sadd.s32 $0x1, s19  }
0xb7: {  	[sflag:s12] =	ssyncadd.s32 $0xFFFFC000;
	p0 =	sne.s32 s19, s8  }
.Ltmp1:
0xb8: {  	[bflag:$0x0] =	sbarrier.arrive $0xFFFF;
	(pc) =	sbr.rel @p0 .LBB2_1-.Ltmp1, $4  }
0xb9: {  	[hbm:s7], [sflag:s10] =	dma.local [spmem:s11], $0x2800  }
0xba: {  	_ =	swait.ge [sflag:s12], $0x2800  }
0xbb: {  	[sflag:s12] =	ssyncset.done $0x0  }
0xbc: {  	[sflag:s12] =	ssyncadd.s32 $0xFFFFD800  }
0xbd: {  	_ =	sfence.sel $0x180000  }
0xbe: {  	[bflag:$0x0] =	sbarrier.arrive $0xFFFF  }
0xbf: {  	p0 =	sne.s32 s2, $0x0;
	_ =	strace $0x9000004A  }
0xc0: {  	s0 =	sadd.s32 @!p0 $0x100000, s0;
	[bflag:$0x2] =	sbarrier.arrive $0xFFFF  }
0xc1: {  	[sflag:s0] =	ssyncadd.tile.s32 @!p0 $0x1;
	_ =	shalt  }
.Lfunc_end2:
_tile_overlayer_lowered:
.L_overlay_start_2:
0xc2: {  	(tag) =	ssettag $0x2  }
0xc3: {  	s0 =	rddreg [dreg:$0x0];
	s2 =	stileid.u32  }
0xc4: {  	s1 =	rddreg [dreg:$0x1];
	p0 =	sne.s32 s2, $0x0  }
0xc5: {  	s3 =	rddreg [dreg:$0x2];
	[bflag:$0x3] =	sbarrier.arrive $0xFFFF;
	s2 =	simm.s32 @!p0 $0x1C03  }
0xc6: {  	[timem:s3], [sflag:s2] =	dma.local @!p0 [hbm:s0], s1  }
0xc7: {  	s0 =	simm.s32 @!p0 $0x3  }
0xc8: {  	_ =	swait.ge @!p0 [sflag:s0], s1  }
0xc9: {  	s1 =	ssub.s32 @!p0 $0x0, s1;
	[sflag:s0] =	ssyncset.done @!p0 $0x0  }
0xca: {  	[sflag:s0] =	ssyncadd.s32 @!p0 s1  }
0xcb: {  	[bflag:$0x3] =	sbarrier.arrive $0xFFFF  }
0xcc: {  	_ =	shalt  }

// kernel: kernel.14.cloned.1.call-start
scs
__scs_entry_jumppad:
0x0: {  	(pc) =	sbr.rel $0x88, $3  }
0x1: {  	(tag) =	ssettag $0x0;
	lr =	simm.s32 $0x1  }
0x2: {  	[smem:$0x3F9B] =	sst lr;
	_ =	strace $0xD0000000  }
0x3: {  	_ = 	snop  }
0x4: {  	_ = 	snop  }
0x5: {  	_ = 	snop  }
0x6: {  	_ = 	snop  }
0x7: {  	_ = 	snop  }
__scs_overlays_trampoline_lowered:
0x8: {  	[smem:$0x3FAA] =	sst s0  }
0x9: {  	[smem:$0x3FAB] =	sst s1  }
0xa: {  	[smem:$0x3FAC] =	sst s2  }
0xb: {  	[smem:$0x3FAD] =	sst s3  }
0xc: {  	[smem:$0x3FAE] =	sst s4  }
0xd: {  	[smem:$0x3FAF] =	sst s5  }
0xe: {  	[smem:$0x3FB0] =	sst s6  }
0xf: {  	[smem:$0x3FB1] =	sst s7  }
0x10: {  	[smem:$0x3FB2] =	sst s8  }
0x11: {  	[smem:$0x3FB3] =	sst s9;
	s0 =	simm.s32 @!p0 $0x0  }
0x12: {  	s1 =	sld [smem:$0x3F99];
	s0 =	simm.s32 @p0 $0x1  }
0x13: {  	[smem:$0x3FB4] =	sst s0;
	s0 =	simm.s32 @!p1 $0x0  }
0x14: {  	s2 =	sld [smem:$0x3F98];
	s0 =	simm.s32 @p1 $0x1  }
0x15: {  	[smem:$0x3FB5] =	sst s0;
	s0 =	simm.s32 @!p2 $0x0  }
0x16: {  	s3 =	sld [smem:$0x3FDB];
	s0 =	simm.s32 @p2 $0x1  }
0x17: {  	s4 =	simm.s32 $0x1BF5;
	[smem:$0x3FB7] =	sst s0  }
0x18: {  	s0 =	sld [smem:$0x3F9A];
	_ =	swait.ge [sflag:s4], $0x0  }
0x19: {  	s7 =	sld [smem:$0x3F9B]  }
0x1a: {  	s8 =	sadd.s32 $0xFFFFE003, lr  }
0x1b: {  	s9 =	sadd.s32 $0xFFFFFEF7, lr;
	s5 =	simm.s32 $0xFFFFFFFF;
	p2 =	slt.u32 s8, $0xFFFFF086  }
0x1c: {  	p1 =	slt.u32 s9, $0xF7A;
	s5 =	simm.s32 @!p2 $0x0  }
0x1d: {  	s5 =	simm.s32 @p1 $0x1;
	p0 =	seq.s32 s7, s2  }
0x1e: {  	s7 =	smul.u32 @!p0 $0xF7A, s2;
	p2 =	seq.s32 @!p0 s5, $0x0  }
0x1f: {  	s9 =	smul.u32 $0xF7A, s1;
	s8 =	simm.s32 @!p0 $0x1BF5;
	p2 =	por !p2, p0  }
0x20: {  	[sflag:s8] =	ssyncset.s32 @!p0 $0xFFFFF086;
	s6 =	sadd.s32 @!p0 s3, s7;
	s7 =	simm.s32 @!p0 $0x108  }
0x21: {  	s3 =	sadd.s32 s3, s9;
	s6 =	sadd.s32 @!p0 $0x88, s6;
	s7 =	simm.s32 @p2 $0x1082  }
0x22: {  	[simem:s7], [sflag:s8] =	dma.local @!p0 [hbm:s6], $0xF7A  }
0x23: {  	s9 =	sor.u32 $0xD0000000, s2;
	s6 =	simm.s32 $0x108;
	_ =	swait.ge @!p0 [sflag:s8], $0x0  }
0x24: {  	s3 =	sadd.s32 $0x88, s3;
	s6 =	simm.s32 @!p1 $0x1082;
	[sflag:s4] =	ssyncset.s32 $0xFFFFF086  }
0x25: {  	[simem:s6], [sflag:s4] =	dma.local [hbm:s3], $0xF7A  }
0x26: {  	[smem:$0x3F9B] =	sst s1;
	(tag) =	ssettag s2;
	_ =	strace s9  }
0x27: {  	s1 =	sld [smem:$0x3FAB]  }
0x28: {  	s2 =	sld [smem:$0x3FAC]  }
0x29: {  	s4 =	sld [smem:$0x3FAE]  }
0x2a: {  	p0 =	seq.s32 s5, $0x0;
	s5 =	sld [smem:$0x3FAF]  }
0x2b: {  	s6 =	sld [smem:$0x3FB0]  }
0x2c: {  	s7 =	sld [smem:$0x3FB1]  }
0x2d: {  	s3 =	simm.s32 $0x108;
	s8 =	sld [smem:$0x3FB2]  }
0x2e: {  	s3 =	simm.s32 @!p0 $0x1082;
	s9 =	sld [smem:$0x3FB3]  }
0x2f: {  	lr =	sadd.s32 s0, s3;
	s0 =	sld [smem:$0x3FAA]  }
0x30: {  	s3 =	sld [smem:$0x3FAD]  }
0x31: {  	[smem:$0x3FB6] =	sst s10  }
0x32: {  	s10 =	sld [smem:$0x3FB4];
	_ =	sdelay $0x3  }
0x33: {  	p0 =	seq.s32 s10, $0x1;
	s10 =	sld [smem:$0x3FB6];
	_ =	sdelay $0x3  }
0x34: {  	[smem:$0x3FB6] =	sst s10  }
0x35: {  	s10 =	sld [smem:$0x3FB5];
	_ =	sdelay $0x3  }
0x36: {  	p1 =	seq.s32 s10, $0x1;
	s10 =	sld [smem:$0x3FB6];
	_ =	sdelay $0x3  }
0x37: {  	[smem:$0x3FB6] =	sst s10  }
0x38: {  	s10 =	sld [smem:$0x3FB7]  }
0x39: {  	_ = 	snop;
	(pc) =	sbr.ind lr, $3  }
0x3a: {  	_ = 	snop  }
0x3b: {  	_ = 	snop  }
0x3c: {  	p2 =	seq.s32 s10, $0x1;
	s10 =	sld [smem:$0x3FB6]  }
0x3d: {  	_ =	shalt  }
0x3e: {  	_ =	shalt  }
0x3f: {  	_ =	shalt  }
0x40: {  	_ =	shalt  }
0x41: {  	_ =	shalt  }
0x42: {  	_ =	shalt  }
0x43: {  	_ =	shalt  }
0x44: {  	_ =	shalt  }
0x45: {  	_ =	shalt  }
0x46: {  	_ =	shalt  }
0x47: {  	_ =	shalt  }
0x48: {  	_ =	shalt  }
0x49: {  	_ =	shalt  }
0x4a: {  	_ =	shalt  }
0x4b: {  	_ =	shalt  }
0x4c: {  	_ =	shalt  }
0x4d: {  	_ =	shalt  }
0x4e: {  	_ =	shalt  }
0x4f: {  	_ =	shalt  }
0x50: {  	_ =	shalt  }
0x51: {  	_ =	shalt  }
0x52: {  	_ =	shalt  }
0x53: {  	_ =	shalt  }
0x54: {  	_ =	shalt  }
0x55: {  	_ =	shalt  }
0x56: {  	_ =	shalt  }
0x57: {  	_ =	shalt  }
0x58: {  	_ =	shalt  }
0x59: {  	_ =	shalt  }
0x5a: {  	_ =	shalt  }
0x5b: {  	_ =	shalt  }
0x5c: {  	_ =	shalt  }
0x5d: {  	_ =	shalt  }
0x5e: {  	_ =	shalt  }
0x5f: {  	_ =	shalt  }
0x60: {  	_ =	shalt  }
0x61: {  	_ =	shalt  }
0x62: {  	_ =	shalt  }
0x63: {  	_ =	shalt  }
0x64: {  	_ =	shalt  }
0x65: {  	_ =	shalt  }
0x66: {  	_ =	shalt  }
0x67: {  	_ =	shalt  }
0x68: {  	_ =	shalt  }
0x69: {  	_ =	shalt  }
0x6a: {  	_ =	shalt  }
0x6b: {  	_ =	shalt  }
0x6c: {  	_ =	shalt  }
0x6d: {  	_ =	shalt  }
0x6e: {  	_ =	shalt  }
0x6f: {  	_ =	shalt  }
0x70: {  	_ =	shalt  }
0x71: {  	_ =	shalt  }
0x72: {  	_ =	shalt  }
0x73: {  	_ =	shalt  }
0x74: {  	_ =	shalt  }
0x75: {  	_ =	shalt  }
0x76: {  	_ =	shalt  }
0x77: {  	_ =	shalt  }
0x78: {  	_ =	shalt  }
0x79: {  	_ =	shalt  }
0x7a: {  	_ =	shalt  }
0x7b: {  	_ =	shalt  }
0x7c: {  	_ =	shalt  }
0x7d: {  	_ =	shalt  }
0x7e: {  	_ =	shalt  }
0x7f: {  	_ =	shalt  }
0x80: {  	_ =	shalt  }
0x81: {  	_ =	shalt  }
0x82: {  	_ =	shalt  }
0x83: {  	_ =	shalt  }
0x84: {  	_ =	shalt  }
0x85: {  	_ =	shalt  }
0x86: {  	_ =	shalt  }
0x87: {  	_ =	shalt  }
.Lfunc_end0:
.L_simem_size_0:
called_computation.2_lowered:
.L_overlay_start_0:
0x88: {  	s2 =	sld [smem:$0x3FD9]  }
0x89: {  	s3 =	sld [smem:$0x3FFE];
	_ =	sdelay $0x1  }
0x8a: {  	s1 =	srdreg.scid  }
0x8b: {  	s0 =	sand.u32 $0x1, s1  }
0x8c: {  	s17 =	sshll.u32 s0, $0xA;
	s2 =	sadd.s32 s3, s2  }
0x8d: {  	s2 =	sadd.s32 s2, s17  }
0x8e: {  	[smem:$0x3FC2] =	sst s2  }
0x8f: {  	_ = 	snop  }
0x90: {  	s2 =	sld [smem:$0x3FD0];
	(tm) =	ssettm $0x1  }
0x91: {  	s18 =	sld [smem:$0x3FFB];
	_ =	sdelay $0x3  }
0x92: {  	_ =	strace s18  }
0x93: {  	s3 =	sld [smem:$0x3FFC];
	_ =	sdelay $0x3  }
0x94: {  	_ =	strace s3  }
0x95: {  	s3 =	sld [smem:$0x3FFD];
	_ =	sdelay $0x3  }
0x96: {  	_ =	strace s3  }
0x97: {  	_ =	strace $0x8FFFFFFF  }
0x98: {  	s19 =	sld [smem:$0x3FDB];
	_ =	sdelay $0x1  }
0x99: {  	s4 =	simm.s32 $_scs_section_size  }
0x9a: {  	s5 =	simm.s32 $_size__tile_overlayer_lowered;
	s6 =	simm.s32 $_tile_overlayer_lowered  }
0x9b: {  	s22 =	simm.s32 $0x1BFF;
	s21 =	sshll.u32 s6, $0x1;
	s3 =	sadd.s32 s4, s19  }
0x9c: {  	s7 =	simm.s32 $0x0;
	s20 =	sshll.u32 s5, $0x1;
	s5 =	sadd.s32 s21, s3  }
0x9d: {  	[timem:s7], [sflag:s22] =	dma.local [hbm:s5], s20  }
0x9e: {  	_ =	swait.ge [sflag:s22], s20  }
0x9f: {  	s4 =	ssub.s32 $0x0, s20;
	[sflag:s22] =	ssyncset.done $0x0  }
0xa0: {  	[sflag:s22] =	ssyncadd.s32 s4;
	_ =	sdelay $0x1  }
0xa1: {  	s23 =	simm.s32 $0x1B8B  }
0xa2: {  	_ =	swait.ge [sflag:s23], $0x1  }
0xa3: {  	[sflag:s23] =	ssyncset.done $0x0  }
0xa4: {  	s25 =	simm.s32 $0x1B8E;
	s24 =	sld [smem:$0x3FFE];
	[sflag:s23] =	ssyncadd.s32 $0xFFFFFFFF  }
0xa5: {  	s26 =	simm.s32 $execute0_lowered;
	[smem:$0x3FD2] =	sst s25  }
0xa6: {  	s5 =	sshll.u32 s26, $0x1;
	_ =	strace $0x8000004C;
	[dreg:$0x1] =	wrdreg $0xFFFFFFFF  }
0xa7: {  	s28 =	simm.s32 $_size_execute0_lowered;
	s3 =	sadd.s32 s3, s5;
	[dreg:$0x0] =	wrdreg $0x0  }
0xa8: {  	s5 =	sshll.u32 s28, $0x1;
	[dreg:$0x2] =	wrdreg s3  }
0xa9: {  	[dreg:$0x3] =	wrdreg s5  }
0xaa: {  	[dreg:$0x4] =	wrdreg $0xC0  }
0xab: {  	_ =	task [dreg:s7], $0x5FFFF  }
0xac: {  	[dreg:$0x1] =	wrdreg $0xFFFFFFFF  }
0xad: {  	[dreg:$0x0] =	wrdreg $0x60  }
0xae: {  	[dreg:$0x2] =	wrdreg s24  }
0xaf: {  	[dreg:$0x3] =	wrdreg s2  }
0xb0: {  	[dreg:$0x4] =	wrdreg $0x90000  }
0xb1: {  	[dreg:$0x5] =	wrdreg $0x9  }
0xb2: {  	_ =	task.clear_ibuf [dreg:s7], $0x6FFFF;
	_ =	strace $0x9000004C  }
0xb3: {  	s29 =	simm.s32 $0x9;
	_ =	strace $0x8000004E  }
0xb4: {  	_ =	swait.ge [sflag:s29], $0x1  }
0xb5: {  	[sflag:s29] =	ssyncadd.s32 $0xFFFFFFFF  }
0xb6: {  	_ =	strace $0x9000004E  }
0xb7: {  	_ =	sfence  }
0xb8: {  	s30 =	sld [smem:$0x0];
	_ =	sdelay $0x2  }
0xb9: {  	s31 =	sshll.u32 s1, $0xD;
	s1 =	sshrl.u32 s1, $0x2  }
0xba: {  	s3 =	sand.u32 $0x4000, s31;
	s1 =	sadd.s32 s1, s30  }
0xbb: {  	s0 =	sor.u32 s3, s0;
	s1 =	sshll.u32 s1, $0x11  }
0xbc: {  	s0 =	sor.u32 s1, s0  }
0xbd: {  	s0 =	sadd.s32 $0x8F2B, s0  }
0xbe: {  	[sflag:s0] =	ssyncadd.remote.s32 $0x1  }
0xbf: {  	_ =	sfence.sel $0xFFFF  }
0xc0: {  	[dreg:$0x0] =	wrdreg $0xFFFFFFFF;
	(pc) =	sbr.abs _section_cstart, $3  }
0xc1: {  	[dreg:$0x1] =	wrdreg $0xFFFFFFFF  }
0xc2: {  	_ =	task.clear_ibuf [dreg:s7], $0x2FFFF;
	_ =	strace $0x9FFFFFFF  }
0xc3: {  	(tm) =	ssettm $0x7FFFFFFF  }
tec
execute0_lowered:
.L_overlay_start_1:
0x0: {  	(tag) =	ssettag $0x1  }
0x1: {  	s5 =	rddreg [dreg:$0x0]  }
0x2: {  	s9 =	rddreg [dreg:$0x1]  }
0x3: {  	s1 =	rddreg [dreg:$0x2]  }
0x4: {  	s0 =	rddreg [dreg:$0x3]  }
0x5: {  	s3 =	simm.s32 $0x0;
	s2 =	srdreg.scid;
	s17 =	simm.s32 $0x1  }
0x6: {  	s18 =	simm.s32 $0x2;
	[smem:$0x7FF] =	sst s3;
	s6 =	sand.u32 $0x1, s2  }
0x7: {  	s19 =	simm.s32 $0x0;
	s2 =	stileid.u32;
	s7 =	smul.u32 $0x140000, s6  }
0x8: {  	s4 =	sadd.s32 $0x6B000, s5;
	s10 =	sadd.s32 $0x11000, s5;
	s8 =	smul.u32 $0x14000, s2  }
0x9: {  	s13 =	sadd.s32 $0x93000, s5;
	_ =	strace $0x8000004D;
	s12 =	smul.u32 $0x50000, s2  }
0xa: {  	s11 =	sshll.u32 s6, $0x4;
	s14 =	smul.u32 $0x2800, s2;
	s26 =	ssub.s32 $0x2, s6  }
0xb: {  	s16 =	smul.u32 $0x28000, s6;
	p0 =	seq.s32 s6, $0x0;
	s31 =	sshll.u32 s2, $0x6  }
0xc: {  	s11 =	sor.u32 s2, s11;
	s15 =	sshrl.u32 s26, $0x1;
	s13 =	smov.u32 @p0 s4  }
0xd: {  	s7 =	sadd.s32 s8, s7;
	s11 =	smul.u32 $0x2800, s11;
	s8 =	ssub.s32 s26, s15  }
0xe: {  	s28 =	sshrl.u32 s12, $0x2;
	s30 =	sadd.s32 s14, s16;
	s15 =	simm.s32 $0x1000  }
0xf: {  	s16 =	simm.s32 $0x5000;
	s7 =	sshrl.u32 s7, $0x3;
	s12 =	sadd.s32 s28, s1  }
0x10: {  	s8 =	smax.u32 s8, $0x1;
	s29 =	sshrl.u32 s11, $0x3;
	s11 =	sor.u32 $0x400, s30  }
0x11: {  	s7 =	sadd.s32 s7, s5;
	s5 =	sadd.s32 s10, s29;
	s11 =	sshrl.u32 s11, $0x3  }
0x12: {  	s6 =	sadd.s32 s9, s29;
	s7 =	sadd.s32 $0xBB000, s7;
	s9 =	sadd.s32 s11, s9  }
0x13: {  	s11 =	sadd.s32 s11, s10;
	s10 =	sor.u32 $0x1C03, s31;
	[dreg:$0x5] =	wrdreg s9  }
0x14: {  	s9 =	sadd.s32 s13, s14;
	[dreg:$0x4] =	wrdreg s11;
	s11 =	sshrl.u32 s12, $0x3  }
0x15: {  	s12 =	simm.s32 $0x3;
	s13 =	simm.s32 $0x800;
	s14 =	simm.s32 $0x80  }
.LBB2_1:
0x16: {  	[spmem:s11], [sflag:s10] =	dma.local [hbm:s9], $0x2800  }
0x17: {  	_ =	swait.ge [sflag:s12], $0x2800  }
0x18: {  	[sflag:s12] =	ssyncset.done $0x0  }
0x19: {  	[sflag:s12] =	ssyncadd.s32 $0xFFFFD800  }
0x1a: {  	[tilespmem:s3], [sflag:$0x3] =	stream.linear.gather [hbm4b:s5+s3], $0x400, $0x38;
	[tilespmem:$0x1D000] =	vst v63  }
0x1b: {  	_ =	swait.ge [sflag:s12], $0x400  }
0x1c: {  	[sflag:s12] =	ssyncset.done $0x0  }
0x1d: {  	[sflag:s12] =	ssyncadd.s32 $0xFFFFFC00  }
0x1e: {  	[tilespmem:s13], [sflag:$0x3] =	stream.linear.gather [hbm4b:s6+s3], $0x400, $0x38;
	[tilespmem:$0x1D000] =	vst v63  }
0x1f: {  	_ =	swait.ge [sflag:s12], $0x400  }
0x20: {  	[sflag:s12] =	ssyncset.done $0x0  }
0x21: {  	[sflag:s12] =	ssyncadd.s32 $0xFFFFFC00  }
0x22: {  	s20 =	simm.s32 $0x400;
	p0 =	por $0x0, $0x0;
	[bflag:$0x0] =	sbarrier.arrive $0xFFFF  }
0x23: {  	[tilespmem:s15], [sflag:$0x1] =	stream.indirect.gather [hbm4b:s4+s14], $0x80, s3, s14, $0xb8;
	[tilespmem:$0x1D000] =	vst v63  }
0x24: {  	s22 =	sand.u32 @!p0 $0x400, s20;
	s21 =	rddreg [dreg:$0x4]  }
0x25: {  	s23 =	simm.s32 @!p0 $0x0;
	s24 =	simm.s32 @!p0 $0x3;
	s21 =	sadd.s32 @!p0 $0x0, s21  }
0x26: {  	[tilespmem:s22], [sflag:$0x3] =	stream.linear.gather @!p0 [hbm4b:s21+s23], $0x400, $0x38;
	[tilespmem:$0x1D000] =	vst v63  }
0x27: {  	_ =	swait.ge @!p0 [sflag:s24], $0x400  }
0x28: {  	s21 =	rddreg [dreg:$0x5];
	[sflag:s24] =	ssyncset.done @!p0 $0x0  }
0x29: {  	s22 =	sor.u32 @!p0 $0x800, s22;
	[sflag:s24] =	ssyncadd.s32 @!p0 $0xFFFFFC00;
	s21 =	sadd.s32 @!p0 $0x0, s21  }
0x2a: {  	[tilespmem:s22], [sflag:$0x3] =	stream.linear.gather @!p0 [hbm4b:s21+s23], $0x400, $0x38;
	[tilespmem:$0x1D000] =	vst v63  }
0x2b: {  	s22 =	sand.u32 $0x1000, s3;
	_ =	swait.ge @!p0 [sflag:s24], $0x400  }
0x2c: {  	s21 =	sshrl.u32 s22, $0x2;
	[sflag:s24] =	ssyncset.done @!p0 $0x0  }
0x2d: {  	[sflag:s24] =	ssyncadd.s32 @!p0 $0xFFFFFC00;
	s24 =	sor.u32 $0x80, s21  }
0x2e: {  	[tilespmem:s16], [sflag:$0x2] =	stream.indirect.gather [hbm4b:s4+s14], $0x80, s24, s14, $0xb8;
	[tilespmem:$0x1D000] =	vst v63  }
0x2f: {  	_ =	swait.ge [sflag:s17], $0x4000  }
0x30: {  	[sflag:s17] =	ssyncset.done $0x0  }
0x31: {  	s25 =	sor.u32 $0x800, s21;
	[sflag:s17] =	ssyncadd.s32 $0xFFFFC000  }
0x32: {  	[spmem:s1] =	stream.indirect.scatter.add.f32 [tilespmem:s15], [sflag:$0x3], $0x80, s25, s14, $0xb8;
	[tilespmem:$0x1D000] =	vst v63  }
0x33: {  	_ =	swait.ge [sflag:s12], $0x4000  }
0x34: {  	[sflag:s12] =	ssyncset.done $0x0  }
0x35: {  	s26 =	sor.u32 $0x100, s21;
	[sflag:s12] =	ssyncadd.s32 $0xFFFFC000  }
0x36: {  	[tilespmem:s15], [sflag:$0x1] =	stream.indirect.gather [hbm4b:s4+s14], $0x80, s26, s14, $0xb8;
	[tilespmem:$0x1D000] =	vst v63  }
0x37: {  	_ =	swait.ge [sflag:s18], $0x4000  }
0x38: {  	[sflag:s18] =	ssyncset.done $0x0  }
0x39: {  	s28 =	sor.u32 $0x880, s21;
	[sflag:s18] =	ssyncadd.s32 $0xFFFFC000  }
0x3a: {  	[spmem:s1] =	stream.indirect.scatter.add.f32 [tilespmem:s16], [sflag:$0x3], $0x80, s28, s14, $0xb8;
	[tilespmem:$0x1D000] =	vst v63  }
0x3b: {  	_ =	swait.ge [sflag:s12], $0x4000  }
0x3c: {  	[sflag:s12] =	ssyncset.done $0x0  }
0x3d: {  	s29 =	sor.u32 $0x180, s21;
	[sflag:s12] =	ssyncadd.s32 $0xFFFFC000  }
0x3e: {  	[tilespmem:s16], [sflag:$0x2] =	stream.indirect.gather [hbm4b:s4+s14], $0x80, s29, s14, $0xb8;
	[tilespmem:$0x1D000] =	vst v63  }
0x3f: {  	_ =	swait.ge [sflag:s17], $0x4000  }
0x40: {  	[sflag:s17] =	ssyncset.done $0x0  }
0x41: {  	s30 =	sor.u32 $0x900, s21;
	[sflag:s17] =	ssyncadd.s32 $0xFFFFC000  }
0x42: {  	[spmem:s1] =	stream.indirect.scatter.add.f32 [tilespmem:s15], [sflag:$0x3], $0x80, s30, s14, $0xb8;
	[tilespmem:$0x1D000] =	vst v63  }
0x43: {  	_ =	swait.ge [sflag:s12], $0x4000  }
0x44: {  	[sflag:s12] =	ssyncset.done $0x0  }
0x45: {  	s31 =	sor.u32 $0x200, s21;
	[sflag:s12] =	ssyncadd.s32 $0xFFFFC000  }
0x46: {  	[tilespmem:s15], [sflag:$0x1] =	stream.indirect.gather [hbm4b:s4+s14], $0x80, s31, s14, $0xb8;
	[tilespmem:$0x1D000] =	vst v63  }
0x47: {  	_ =	swait.ge [sflag:s18], $0x4000  }
0x48: {  	[sflag:s18] =	ssyncset.done $0x0  }
0x49: {  	s24 =	sor.u32 $0x980, s21;
	[sflag:s18] =	ssyncadd.s32 $0xFFFFC000  }
0x4a: {  	[spmem:s1] =	stream.indirect.scatter.add.f32 [tilespmem:s16], [sflag:$0x3], $0x80, s24, s14, $0xb8;
	[tilespmem:$0x1D000] =	vst v63  }
0x4b: {  	_ =	swait.ge [sflag:s12], $0x4000  }
0x4c: {  	[sflag:s12] =	ssyncset.done $0x0  }
0x4d: {  	s25 =	sor.u32 $0x280, s21;
	[sflag:s12] =	ssyncadd.s32 $0xFFFFC000  }
0x4e: {  	[tilespmem:s16], [sflag:$0x2] =	stream.indirect.gather [hbm4b:s4+s14], $0x80, s25, s14, $0xb8;
	[tilespmem:$0x1D000] =	vst v63  }
0x4f: {  	_ =	swait.ge [sflag:s17], $0x4000  }
0x50: {  	[sflag:s17] =	ssyncset.done $0x0  }
0x51: {  	s26 =	sor.u32 $0xA00, s21;
	[sflag:s17] =	ssyncadd.s32 $0xFFFFC000  }
0x52: {  	[spmem:s1] =	stream.indirect.scatter.add.f32 [tilespmem:s15], [sflag:$0x3], $0x80, s26, s14, $0xb8;
	[tilespmem:$0x1D000] =	vst v63  }
0x53: {  	_ =	swait.ge [sflag:s12], $0x4000  }
0x54: {  	[sflag:s12] =	ssyncset.done $0x0  }
0x55: {  	s28 =	sor.u32 $0x300, s21;
	[sflag:s12] =	ssyncadd.s32 $0xFFFFC000  }
0x56: {  	[tilespmem:s15], [sflag:$0x1] =	stream.indirect.gather [hbm4b:s4+s14], $0x80, s28, s14, $0xb8;
	[tilespmem:$0x1D000] =	vst v63  }
0x57: {  	_ =	swait.ge [sflag:s18], $0x4000  }
0x58: {  	[sflag:s18] =	ssyncset.done $0x0  }
0x59: {  	s29 =	sor.u32 $0xA80, s21;
	[sflag:s18] =	ssyncadd.s32 $0xFFFFC000  }
0x5a: {  	[spmem:s1] =	stream.indirect.scatter.add.f32 [tilespmem:s16], [sflag:$0x3], $0x80, s29, s14, $0xb8;
	[tilespmem:$0x1D000] =	vst v63  }
0x5b: {  	_ =	swait.ge [sflag:s12], $0x4000  }
0x5c: {  	[sflag:s12] =	ssyncset.done $0x0  }
0x5d: {  	s30 =	sor.u32 $0x380, s21;
	[sflag:s12] =	ssyncadd.s32 $0xFFFFC000  }
0x5e: {  	[tilespmem:s16], [sflag:$0x2] =	stream.indirect.gather [hbm4b:s4+s14], $0x80, s30, s14, $0xb8;
	[tilespmem:$0x1D000] =	vst v63  }
0x5f: {  	_ =	swait.ge [sflag:s17], $0x4000  }
0x60: {  	[sflag:s17] =	ssyncset.done $0x0  }
0x61: {  	s31 =	sor.u32 $0xB00, s21;
	[sflag:s17] =	ssyncadd.s32 $0xFFFFC000  }
0x62: {  	[spmem:s1] =	stream.indirect.scatter.add.f32 [tilespmem:s15], [sflag:$0x3], $0x80, s31, s14, $0xb8;
	[tilespmem:$0x1D000] =	vst v63  }
0x63: {  	p0 =	por $0x0, $0x0;
	_ =	swait.ge [sflag:s12], $0x4000  }
0x64: {  	s22 =	sxor.u32 @!p0 $0x1000, s22;
	s23 =	simm.s32 @!p0 $0x80;
	[sflag:s12] =	ssyncset.done $0x0  }
0x65: {  	s22 =	sshrl.u32 @!p0 s22, $0x2;
	s24 =	simm.s32 @!p0 $0x1000;
	[sflag:s12] =	ssyncadd.s32 $0xFFFFC000  }
0x66: {  	[tilespmem:s24], [sflag:$0x1] =	stream.indirect.gather @!p0 [hbm4b:s4+s23], $0x80, s22, s23, $0xb8;
	[tilespmem:$0x1D000] =	vst v63  }
0x67: {  	_ =	swait.ge [sflag:s18], $0x4000  }
0x68: {  	[sflag:s18] =	ssyncset.done $0x0  }
0x69: {  	s21 =	sadd.s32 $0xB80, s21;
	s22 =	simm.s32 $0x0;
	[sflag:s18] =	ssyncadd.s32 $0xFFFFC000  }
0x6a: {  	[spmem:s1] =	stream.indirect.scatter.add.f32 [tilespmem:s16], [sflag:$0x3], $0x80, s21, s14, $0xb8;
	[tilespmem:$0x1D000] =	vst v63  }
0x6b: {  	s23 =	simm.s32 $0x0;
	s21 =	simm.s32 $0x80;
	_ =	swait.ge [sflag:s12], $0x4000  }
.LBB2_2:
0x6c: {  	s25 =	smov.u32 s21  }
0x6d: {  	s20 =	sadd.s32 $0x400, s20;
	[sflag:s12] =	ssyncset.done $0x0;
	p2 =	seq.s32 s25, $0x480  }
0x6e: {  	s24 =	rddreg [dreg:$0x4];
	[sflag:s12] =	ssyncadd.s32 $0xFFFFC000;
	s26 =	sand.u32 @!p2 $0x400, s20  }
0x6f: {  	s24 =	sadd.s32 @!p2 s25, s24;
	s28 =	simm.s32 @!p2 $0x0;
	s29 =	simm.s32 @!p2 $0x3  }
0x70: {  	[tilespmem:s26], [sflag:$0x3] =	stream.linear.gather @!p2 [hbm4b:s24+s28], $0x400, $0x38;
	[tilespmem:$0x1D000] =	vst v63  }
0x71: {  	_ =	swait.ge @!p2 [sflag:s29], $0x400  }
0x72: {  	s24 =	sor.u32 @!p2 $0x800, s26;
	[sflag:s29] =	ssyncset.done @!p2 $0x0;
	s26 =	rddreg [dreg:$0x5]  }
0x73: {  	s22 =	sadd.s32 $0x1000, s22;
	[sflag:s29] =	ssyncadd.s32 @!p2 $0xFFFFFC00;
	s25 =	sadd.s32 @!p2 s25, s26  }
0x74: {  	[tilespmem:s24], [sflag:$0x3] =	stream.linear.gather @!p2 [hbm4b:s25+s28], $0x400, $0x38;
	[tilespmem:$0x1D000] =	vst v63  }
0x75: {  	s25 =	sand.u32 $0x1000, s22;
	_ =	swait.ge @!p2 [sflag:s29], $0x400  }
0x76: {  	s24 =	sshrl.u32 s25, $0x2;
	[sflag:s29] =	ssyncset.done @!p2 $0x0  }
0x77: {  	s30 =	sor.u32 $0x80, s24;
	[sflag:s29] =	ssyncadd.s32 @!p2 $0xFFFFFC00  }
0x78: {  	[tilespmem:s16], [sflag:$0x2] =	stream.indirect.gather [hbm4b:s4+s14], $0x80, s30, s14, $0xb8;
	[tilespmem:$0x1D000] =	vst v63  }
0x79: {  	_ =	swait.ge [sflag:s17], $0x4000  }
0x7a: {  	[sflag:s17] =	ssyncset.done $0x0  }
0x7b: {  	s31 =	sor.u32 $0x800, s24;
	[sflag:s17] =	ssyncadd.s32 $0xFFFFC000  }
0x7c: {  	[spmem:s1] =	stream.indirect.scatter.add.f32 [tilespmem:s15], [sflag:$0x3], $0x80, s31, s14, $0xb8;
	[tilespmem:$0x1D000] =	vst v63  }
0x7d: {  	_ =	swait.ge [sflag:s12], $0x4000  }
0x7e: {  	[sflag:s12] =	ssyncset.done $0x0  }
0x7f: {  	s28 =	sor.u32 $0x100, s24;
	[sflag:s12] =	ssyncadd.s32 $0xFFFFC000  }
0x80: {  	[tilespmem:s15], [sflag:$0x1] =	stream.indirect.gather [hbm4b:s4+s14], $0x80, s28, s14, $0xb8;
	[tilespmem:$0x1D000] =	vst v63  }
0x81: {  	_ =	swait.ge [sflag:s18], $0x4000  }
0x82: {  	[sflag:s18] =	ssyncset.done $0x0  }
0x83: {  	s29 =	sor.u32 $0x880, s24;
	[sflag:s18] =	ssyncadd.s32 $0xFFFFC000  }
0x84: {  	[spmem:s1] =	stream.indirect.scatter.add.f32 [tilespmem:s16], [sflag:$0x3], $0x80, s29, s14, $0xb8;
	[tilespmem:$0x1D000] =	vst v63  }
0x85: {  	_ =	swait.ge [sflag:s12], $0x4000  }
0x86: {  	[sflag:s12] =	ssyncset.done $0x0  }
0x87: {  	s30 =	sor.u32 $0x180, s24;
	[sflag:s12] =	ssyncadd.s32 $0xFFFFC000  }
0x88: {  	[tilespmem:s16], [sflag:$0x2] =	stream.indirect.gather [hbm4b:s4+s14], $0x80, s30, s14, $0xb8;
	[tilespmem:$0x1D000] =	vst v63  }
0x89: {  	_ =	swait.ge [sflag:s17], $0x4000  }
0x8a: {  	[sflag:s17] =	ssyncset.done $0x0  }
0x8b: {  	s31 =	sor.u32 $0x900, s24;
	[sflag:s17] =	ssyncadd.s32 $0xFFFFC000  }
0x8c: {  	[spmem:s1] =	stream.indirect.scatter.add.f32 [tilespmem:s15], [sflag:$0x3], $0x80, s31, s14, $0xb8;
	[tilespmem:$0x1D000] =	vst v63  }
0x8d: {  	_ =	swait.ge [sflag:s12], $0x4000  }
0x8e: {  	[sflag:s12] =	ssyncset.done $0x0  }
0x8f: {  	s28 =	sor.u32 $0x200, s24;
	[sflag:s12] =	ssyncadd.s32 $0xFFFFC000  }
0x90: {  	[tilespmem:s15], [sflag:$0x1] =	stream.indirect.gather [hbm4b:s4+s14], $0x80, s28, s14, $0xb8;
	[tilespmem:$0x1D000] =	vst v63  }
0x91: {  	_ =	swait.ge [sflag:s18], $0x4000  }
0x92: {  	[sflag:s18] =	ssyncset.done $0x0  }
0x93: {  	s29 =	sor.u32 $0x980, s24;
	[sflag:s18] =	ssyncadd.s32 $0xFFFFC000  }
0x94: {  	[spmem:s1] =	stream.indirect.scatter.add.f32 [tilespmem:s16], [sflag:$0x3], $0x80, s29, s14, $0xb8;
	[tilespmem:$0x1D000] =	vst v63  }
0x95: {  	_ =	swait.ge [sflag:s12], $0x4000  }
0x96: {  	[sflag:s12] =	ssyncset.done $0x0  }
0x97: {  	s30 =	sor.u32 $0x280, s24;
	[sflag:s12] =	ssyncadd.s32 $0xFFFFC000  }
0x98: {  	[tilespmem:s16], [sflag:$0x2] =	stream.indirect.gather [hbm4b:s4+s14], $0x80, s30, s14, $0xb8;
	[tilespmem:$0x1D000] =	vst v63  }
0x99: {  	_ =	swait.ge [sflag:s17], $0x4000  }
0x9a: {  	[sflag:s17] =	ssyncset.done $0x0  }
0x9b: {  	s31 =	sor.u32 $0xA00, s24;
	[sflag:s17] =	ssyncadd.s32 $0xFFFFC000  }
0x9c: {  	[spmem:s1] =	stream.indirect.scatter.add.f32 [tilespmem:s15], [sflag:$0x3], $0x80, s31, s14, $0xb8;
	[tilespmem:$0x1D000] =	vst v63  }
0x9d: {  	_ =	swait.ge [sflag:s12], $0x4000  }
0x9e: {  	[sflag:s12] =	ssyncset.done $0x0  }
0x9f: {  	s28 =	sor.u32 $0x300, s24;
	[sflag:s12] =	ssyncadd.s32 $0xFFFFC000  }
0xa0: {  	[tilespmem:s15], [sflag:$0x1] =	stream.indirect.gather [hbm4b:s4+s14], $0x80, s28, s14, $0xb8;
	[tilespmem:$0x1D000] =	vst v63  }
0xa1: {  	_ =	swait.ge [sflag:s18], $0x4000  }
0xa2: {  	[sflag:s18] =	ssyncset.done $0x0  }
0xa3: {  	s29 =	sor.u32 $0xA80, s24;
	[sflag:s18] =	ssyncadd.s32 $0xFFFFC000  }
0xa4: {  	[spmem:s1] =	stream.indirect.scatter.add.f32 [tilespmem:s16], [sflag:$0x3], $0x80, s29, s14, $0xb8;
	[tilespmem:$0x1D000] =	vst v63  }
0xa5: {  	_ =	swait.ge [sflag:s12], $0x4000  }
0xa6: {  	[sflag:s12] =	ssyncset.done $0x0  }
0xa7: {  	s30 =	sor.u32 $0x380, s24;
	[sflag:s12] =	ssyncadd.s32 $0xFFFFC000  }
0xa8: {  	[tilespmem:s16], [sflag:$0x2] =	stream.indirect.gather [hbm4b:s4+s14], $0x80, s30, s14, $0xb8;
	[tilespmem:$0x1D000] =	vst v63  }
0xa9: {  	_ =	swait.ge [sflag:s17], $0x4000  }
0xaa: {  	s21 =	sadd.s32 $0x80, s21;
	[sflag:s17] =	ssyncset.done $0x0  }
0xab: {  	s23 =	sadd.s32 $0x1, s23;
	s31 =	sor.u32 $0xB00, s24;
	[sflag:s17] =	ssyncadd.s32 $0xFFFFC000  }
0xac: {  	[spmem:s1] =	stream.indirect.scatter.add.f32 [tilespmem:s15], [sflag:$0x3], $0x80, s31, s14, $0xb8;
	[tilespmem:$0x1D000] =	vst v63  }
0xad: {  	p0 =	sne.s32 s21, $0x500;
	p1 =	sgt.u32 s23, $0x8;
	_ =	swait.ge [sflag:s12], $0x4000  }
0xae: {  	s26 =	simm.s32 @!p1 $0x80;
	s25 =	sxor.u32 @!p1 $0x1000, s25;
	[sflag:s12] =	ssyncset.done $0x0  }
0xaf: {  	s25 =	sshrl.u32 @!p1 s25, $0x2;
	s28 =	simm.s32 @!p1 $0x1000;
	[sflag:s12] =	ssyncadd.s32 $0xFFFFC000  }
0xb0: {  	[tilespmem:s28], [sflag:$0x1] =	stream.indirect.gather @!p1 [hbm4b:s4+s26], $0x80, s25, s26, $0xb8;
	[tilespmem:$0x1D000] =	vst v63  }
.Ltmp0:
0xb1: {  	_ =	swait.ge [sflag:s18], $0x4000;
	(pc) =	sbr.rel @p0 .LBB2_2-.Ltmp0, $4  }
0xb2: {  	[sflag:s18] =	ssyncset.done $0x0  }
0xb3: {  	s24 =	sadd.s32 $0xB80, s24;
	[sflag:s18] =	ssyncadd.s32 $0xFFFFC000  }
0xb4: {  	[spmem:s1] =	stream.indirect.scatter.add.f32 [tilespmem:s16], [sflag:$0x3], $0x80, s24, s14, $0xb8;
	[tilespmem:$0x1D000] =	vst v63  }
0xb5: {  	_ =	swait.ge [sflag:s12], $0x4000  }
0xb6: {  	[sflag:s12] =	ssyncset.done $0x0;
	s19 =	sadd.s32 $0x1, s19  }
0xb7: {  	[sflag:s12] =	ssyncadd.s32 $0xFFFFC000;
	p0 =	sne.s32 s19, s8  }
.Ltmp1:
0xb8: {  	[bflag:$0x0] =	sbarrier.arrive $0xFFFF;
	(pc) =	sbr.rel @p0 .LBB2_1-.Ltmp1, $4  }
0xb9: {  	[hbm:s7], [sflag:s10] =	dma.local [spmem:s11], $0x2800  }
0xba: {  	_ =	swait.ge [sflag:s12], $0x2800  }
0xbb: {  	[sflag:s12] =	ssyncset.done $0x0  }
0xbc: {  	[sflag:s12] =	ssyncadd.s32 $0xFFFFD800  }
0xbd: {  	_ =	sfence.sel $0x180000  }
0xbe: {  	[bflag:$0x0] =	sbarrier.arrive $0xFFFF  }
0xbf: {  	p0 =	sne.s32 s2, $0x0;
	_ =	strace $0x9000004D  }
0xc0: {  	s0 =	sadd.s32 @!p0 $0x100000, s0;
	[bflag:$0x2] =	sbarrier.arrive $0xFFFF  }
0xc1: {  	[sflag:s0] =	ssyncadd.tile.s32 @!p0 $0x1;
	_ =	shalt  }
.Lfunc_end2:
_tile_overlayer_lowered:
.L_overlay_start_2:
0xc2: {  	(tag) =	ssettag $0x2  }
0xc3: {  	s0 =	rddreg [dreg:$0x0];
	s2 =	stileid.u32  }
0xc4: {  	s1 =	rddreg [dreg:$0x1];
	p0 =	sne.s32 s2, $0x0  }
0xc5: {  	s3 =	rddreg [dreg:$0x2];
	[bflag:$0x3] =	sbarrier.arrive $0xFFFF;
	s2 =	simm.s32 @!p0 $0x1C03  }
0xc6: {  	[timem:s3], [sflag:s2] =	dma.local @!p0 [hbm:s0], s1  }
0xc7: {  	s0 =	simm.s32 @!p0 $0x3  }
0xc8: {  	_ =	swait.ge @!p0 [sflag:s0], s1  }
0xc9: {  	s1 =	ssub.s32 @!p0 $0x0, s1;
	[sflag:s0] =	ssyncset.done @!p0 $0x0  }
0xca: {  	[sflag:s0] =	ssyncadd.s32 @!p0 s1  }
0xcb: {  	[bflag:$0x3] =	sbarrier.arrive $0xFFFF  }
0xcc: {  	_ =	shalt  }

// kernel: kernel.8.cloned.1.call-start
scs
__scs_entry_jumppad:
0x0: {  	(pc) =	sbr.rel $0x88, $3  }
0x1: {  	(tag) =	ssettag $0x0;
	lr =	simm.s32 $0x1  }
0x2: {  	[smem:$0x3F9B] =	sst lr;
	_ =	strace $0xD0000000  }
0x3: {  	_ = 	snop  }
0x4: {  	_ = 	snop  }
0x5: {  	_ = 	snop  }
0x6: {  	_ = 	snop  }
0x7: {  	_ = 	snop  }
__scs_overlays_trampoline_lowered:
0x8: {  	[smem:$0x3FAA] =	sst s0  }
0x9: {  	[smem:$0x3FAB] =	sst s1  }
0xa: {  	[smem:$0x3FAC] =	sst s2  }
0xb: {  	[smem:$0x3FAD] =	sst s3  }
0xc: {  	[smem:$0x3FAE] =	sst s4  }
0xd: {  	[smem:$0x3FAF] =	sst s5  }
0xe: {  	[smem:$0x3FB0] =	sst s6  }
0xf: {  	[smem:$0x3FB1] =	sst s7  }
0x10: {  	[smem:$0x3FB2] =	sst s8  }
0x11: {  	[smem:$0x3FB3] =	sst s9;
	s0 =	simm.s32 @!p0 $0x0  }
0x12: {  	s1 =	sld [smem:$0x3F99];
	s0 =	simm.s32 @p0 $0x1  }
0x13: {  	[smem:$0x3FB4] =	sst s0;
	s0 =	simm.s32 @!p1 $0x0  }
0x14: {  	s2 =	sld [smem:$0x3F98];
	s0 =	simm.s32 @p1 $0x1  }
0x15: {  	[smem:$0x3FB5] =	sst s0;
	s0 =	simm.s32 @!p2 $0x0  }
0x16: {  	s3 =	sld [smem:$0x3FDB];
	s0 =	simm.s32 @p2 $0x1  }
0x17: {  	s4 =	simm.s32 $0x1BF5;
	[smem:$0x3FB7] =	sst s0  }
0x18: {  	s0 =	sld [smem:$0x3F9A];
	_ =	swait.ge [sflag:s4], $0x0  }
0x19: {  	s7 =	sld [smem:$0x3F9B]  }
0x1a: {  	s8 =	sadd.s32 $0xFFFFE003, lr  }
0x1b: {  	s9 =	sadd.s32 $0xFFFFFEF7, lr;
	s5 =	simm.s32 $0xFFFFFFFF;
	p2 =	slt.u32 s8, $0xFFFFF086  }
0x1c: {  	p1 =	slt.u32 s9, $0xF7A;
	s5 =	simm.s32 @!p2 $0x0  }
0x1d: {  	s5 =	simm.s32 @p1 $0x1;
	p0 =	seq.s32 s7, s2  }
0x1e: {  	s7 =	smul.u32 @!p0 $0xF7A, s2;
	p2 =	seq.s32 @!p0 s5, $0x0  }
0x1f: {  	s9 =	smul.u32 $0xF7A, s1;
	s8 =	simm.s32 @!p0 $0x1BF5;
	p2 =	por !p2, p0  }
0x20: {  	[sflag:s8] =	ssyncset.s32 @!p0 $0xFFFFF086;
	s6 =	sadd.s32 @!p0 s3, s7;
	s7 =	simm.s32 @!p0 $0x108  }
0x21: {  	s3 =	sadd.s32 s3, s9;
	s6 =	sadd.s32 @!p0 $0x88, s6;
	s7 =	simm.s32 @p2 $0x1082  }
0x22: {  	[simem:s7], [sflag:s8] =	dma.local @!p0 [hbm:s6], $0xF7A  }
0x23: {  	s9 =	sor.u32 $0xD0000000, s2;
	s6 =	simm.s32 $0x108;
	_ =	swait.ge @!p0 [sflag:s8], $0x0  }
0x24: {  	s3 =	sadd.s32 $0x88, s3;
	s6 =	simm.s32 @!p1 $0x1082;
	[sflag:s4] =	ssyncset.s32 $0xFFFFF086  }
0x25: {  	[simem:s6], [sflag:s4] =	dma.local [hbm:s3], $0xF7A  }
0x26: {  	[smem:$0x3F9B] =	sst s1;
	(tag) =	ssettag s2;
	_ =	strace s9  }
0x27: {  	s1 =	sld [smem:$0x3FAB]  }
0x28: {  	s2 =	sld [smem:$0x3FAC]  }
0x29: {  	s4 =	sld [smem:$0x3FAE]  }
0x2a: {  	p0 =	seq.s32 s5, $0x0;
	s5 =	sld [smem:$0x3FAF]  }
0x2b: {  	s6 =	sld [smem:$0x3FB0]  }
0x2c: {  	s7 =	sld [smem:$0x3FB1]  }
0x2d: {  	s3 =	simm.s32 $0x108;
	s8 =	sld [smem:$0x3FB2]  }
0x2e: {  	s3 =	simm.s32 @!p0 $0x1082;
	s9 =	sld [smem:$0x3FB3]  }
0x2f: {  	lr =	sadd.s32 s0, s3;
	s0 =	sld [smem:$0x3FAA]  }
0x30: {  	s3 =	sld [smem:$0x3FAD]  }
0x31: {  	[smem:$0x3FB6] =	sst s10  }
0x32: {  	s10 =	sld [smem:$0x3FB4];
	_ =	sdelay $0x3  }
0x33: {  	p0 =	seq.s32 s10, $0x1;
	s10 =	sld [smem:$0x3FB6];
	_ =	sdelay $0x3  }
0x34: {  	[smem:$0x3FB6] =	sst s10  }
0x35: {  	s10 =	sld [smem:$0x3FB5];
	_ =	sdelay $0x3  }
0x36: {  	p1 =	seq.s32 s10, $0x1;
	s10 =	sld [smem:$0x3FB6];
	_ =	sdelay $0x3  }
0x37: {  	[smem:$0x3FB6] =	sst s10  }
0x38: {  	s10 =	sld [smem:$0x3FB7]  }
0x39: {  	_ = 	snop;
	(pc) =	sbr.ind lr, $3  }
0x3a: {  	_ = 	snop  }
0x3b: {  	_ = 	snop  }
0x3c: {  	p2 =	seq.s32 s10, $0x1;
	s10 =	sld [smem:$0x3FB6]  }
0x3d: {  	_ =	shalt  }
0x3e: {  	_ =	shalt  }
0x3f: {  	_ =	shalt  }
0x40: {  	_ =	shalt  }
0x41: {  	_ =	shalt  }
0x42: {  	_ =	shalt  }
0x43: {  	_ =	shalt  }
0x44: {  	_ =	shalt  }
0x45: {  	_ =	shalt  }
0x46: {  	_ =	shalt  }
0x47: {  	_ =	shalt  }
0x48: {  	_ =	shalt  }
0x49: {  	_ =	shalt  }
0x4a: {  	_ =	shalt  }
0x4b: {  	_ =	shalt  }
0x4c: {  	_ =	shalt  }
0x4d: {  	_ =	shalt  }
0x4e: {  	_ =	shalt  }
0x4f: {  	_ =	shalt  }
0x50: {  	_ =	shalt  }
0x51: {  	_ =	shalt  }
0x52: {  	_ =	shalt  }
0x53: {  	_ =	shalt  }
0x54: {  	_ =	shalt  }
0x55: {  	_ =	shalt  }
0x56: {  	_ =	shalt  }
0x57: {  	_ =	shalt  }
0x58: {  	_ =	shalt  }
0x59: {  	_ =	shalt  }
0x5a: {  	_ =	shalt  }
0x5b: {  	_ =	shalt  }
0x5c: {  	_ =	shalt  }
0x5d: {  	_ =	shalt  }
0x5e: {  	_ =	shalt  }
0x5f: {  	_ =	shalt  }
0x60: {  	_ =	shalt  }
0x61: {  	_ =	shalt  }
0x62: {  	_ =	shalt  }
0x63: {  	_ =	shalt  }
0x64: {  	_ =	shalt  }
0x65: {  	_ =	shalt  }
0x66: {  	_ =	shalt  }
0x67: {  	_ =	shalt  }
0x68: {  	_ =	shalt  }
0x69: {  	_ =	shalt  }
0x6a: {  	_ =	shalt  }
0x6b: {  	_ =	shalt  }
0x6c: {  	_ =	shalt  }
0x6d: {  	_ =	shalt  }
0x6e: {  	_ =	shalt  }
0x6f: {  	_ =	shalt  }
0x70: {  	_ =	shalt  }
0x71: {  	_ =	shalt  }
0x72: {  	_ =	shalt  }
0x73: {  	_ =	shalt  }
0x74: {  	_ =	shalt  }
0x75: {  	_ =	shalt  }
0x76: {  	_ =	shalt  }
0x77: {  	_ =	shalt  }
0x78: {  	_ =	shalt  }
0x79: {  	_ =	shalt  }
0x7a: {  	_ =	shalt  }
0x7b: {  	_ =	shalt  }
0x7c: {  	_ =	shalt  }
0x7d: {  	_ =	shalt  }
0x7e: {  	_ =	shalt  }
0x7f: {  	_ =	shalt  }
0x80: {  	_ =	shalt  }
0x81: {  	_ =	shalt  }
0x82: {  	_ =	shalt  }
0x83: {  	_ =	shalt  }
0x84: {  	_ =	shalt  }
0x85: {  	_ =	shalt  }
0x86: {  	_ =	shalt  }
0x87: {  	_ =	shalt  }
.Lfunc_end0:
.L_simem_size_0:
called_computation_lowered:
.L_overlay_start_0:
0x88: {  	s2 =	sld [smem:$0x3FD9]  }
0x89: {  	s3 =	sld [smem:$0x3FFE];
	_ =	sdelay $0x1  }
0x8a: {  	s1 =	srdreg.scid  }
0x8b: {  	s0 =	sand.u32 $0x1, s1  }
0x8c: {  	s17 =	sshll.u32 s0, $0xA;
	s2 =	sadd.s32 s3, s2  }
0x8d: {  	s2 =	sadd.s32 s2, s17  }
0x8e: {  	[smem:$0x3FC2] =	sst s2  }
0x8f: {  	_ = 	snop  }
0x90: {  	s2 =	sld [smem:$0x3FD0];
	(tm) =	ssettm $0x1  }
0x91: {  	s18 =	sld [smem:$0x3FFB];
	_ =	sdelay $0x3  }
0x92: {  	_ =	strace s18  }
0x93: {  	s3 =	sld [smem:$0x3FFC];
	_ =	sdelay $0x3  }
0x94: {  	_ =	strace s3  }
0x95: {  	s3 =	sld [smem:$0x3FFD];
	_ =	sdelay $0x3  }
0x96: {  	_ =	strace s3  }
0x97: {  	_ =	strace $0x8FFFFFFF  }
0x98: {  	s19 =	sld [smem:$0x3FDB];
	_ =	sdelay $0x1  }
0x99: {  	s4 =	simm.s32 $_scs_section_size  }
0x9a: {  	s5 =	simm.s32 $_size__tile_overlayer_lowered;
	s6 =	simm.s32 $_tile_overlayer_lowered  }
0x9b: {  	s22 =	simm.s32 $0x1BFF;
	s21 =	sshll.u32 s6, $0x1;
	s3 =	sadd.s32 s4, s19  }
0x9c: {  	s7 =	simm.s32 $0x0;
	s20 =	sshll.u32 s5, $0x1;
	s5 =	sadd.s32 s21, s3  }
0x9d: {  	[timem:s7], [sflag:s22] =	dma.local [hbm:s5], s20  }
0x9e: {  	_ =	swait.ge [sflag:s22], s20  }
0x9f: {  	s4 =	ssub.s32 $0x0, s20;
	[sflag:s22] =	ssyncset.done $0x0  }
0xa0: {  	[sflag:s22] =	ssyncadd.s32 s4;
	_ =	sdelay $0x1  }
0xa1: {  	s23 =	simm.s32 $0x1B8B  }
0xa2: {  	_ =	swait.ge [sflag:s23], $0x1  }
0xa3: {  	[sflag:s23] =	ssyncset.done $0x0  }
0xa4: {  	s25 =	simm.s32 $0x1B8E;
	s24 =	sld [smem:$0x3FFE];
	[sflag:s23] =	ssyncadd.s32 $0xFFFFFFFF  }
0xa5: {  	s26 =	simm.s32 $execute0_lowered;
	[smem:$0x3FD2] =	sst s25  }
0xa6: {  	s5 =	sshll.u32 s26, $0x1;
	_ =	strace $0x80000046;
	[dreg:$0x1] =	wrdreg $0xFFFFFFFF  }
0xa7: {  	s28 =	simm.s32 $_size_execute0_lowered;
	s3 =	sadd.s32 s3, s5;
	[dreg:$0x0] =	wrdreg $0x0  }
0xa8: {  	s5 =	sshll.u32 s28, $0x1;
	[dreg:$0x2] =	wrdreg s3  }
0xa9: {  	[dreg:$0x3] =	wrdreg s5  }
0xaa: {  	[dreg:$0x4] =	wrdreg $0xC0  }
0xab: {  	_ =	task [dreg:s7], $0x5FFFF  }
0xac: {  	[dreg:$0x1] =	wrdreg $0xFFFFFFFF  }
0xad: {  	[dreg:$0x0] =	wrdreg $0x60  }
0xae: {  	[dreg:$0x2] =	wrdreg s2  }
0xaf: {  	[dreg:$0x3] =	wrdreg s24  }
0xb0: {  	[dreg:$0x4] =	wrdreg $0x30000  }
0xb1: {  	[dreg:$0x5] =	wrdreg $0x9  }
0xb2: {  	_ =	task.clear_ibuf [dreg:s7], $0x6FFFF;
	_ =	strace $0x90000046  }
0xb3: {  	s29 =	simm.s32 $0x9;
	_ =	strace $0x80000048  }
0xb4: {  	_ =	swait.ge [sflag:s29], $0x1  }
0xb5: {  	[sflag:s29] =	ssyncadd.s32 $0xFFFFFFFF  }
0xb6: {  	_ =	strace $0x90000048  }
0xb7: {  	_ =	sfence  }
0xb8: {  	s30 =	sld [smem:$0x0];
	_ =	sdelay $0x2  }
0xb9: {  	s31 =	sshll.u32 s1, $0xD;
	s1 =	sshrl.u32 s1, $0x2  }
0xba: {  	s3 =	sand.u32 $0x4000, s31;
	s1 =	sadd.s32 s1, s30  }
0xbb: {  	s0 =	sor.u32 s3, s0;
	s1 =	sshll.u32 s1, $0x11  }
0xbc: {  	s0 =	sor.u32 s1, s0  }
0xbd: {  	s0 =	sadd.s32 $0x8F2B, s0  }
0xbe: {  	[sflag:s0] =	ssyncadd.remote.s32 $0x1  }
0xbf: {  	_ =	sfence.sel $0xFFFF  }
0xc0: {  	[dreg:$0x0] =	wrdreg $0xFFFFFFFF;
	(pc) =	sbr.abs _section_cstart, $3  }
0xc1: {  	[dreg:$0x1] =	wrdreg $0xFFFFFFFF  }
0xc2: {  	_ =	task.clear_ibuf [dreg:s7], $0x2FFFF;
	_ =	strace $0x9FFFFFFF  }
0xc3: {  	(tm) =	ssettm $0x7FFFFFFF  }
tec
execute0_lowered:
.L_overlay_start_1:
0x0: {  	(tag) =	ssettag $0x1  }
0x1: {  	s7 =	rddreg [dreg:$0x0]  }
0x2: {  	s5 =	rddreg [dreg:$0x1]  }
0x3: {  	s2 =	rddreg [dreg:$0x2];
	s0 =	stileid.u32  }
0x4: {  	s4 =	srdreg.scid;
	s1 =	rddreg [dreg:$0x3]  }
0x5: {  	s3 =	simm.s32 $0x0;
	s13 =	simm.s32 $0x80;
	s14 =	simm.s32 $0x0  }
0x6: {  	s6 =	smul.u32 $0x2800, s0;
	s8 =	sand.u32 $0x1, s4;
	[smem:$0x7FF] =	sst s3  }
0x7: {  	s4 =	sadd.s32 $0x6E00, s5;
	s31 =	sshll.u32 s0, $0x6;
	s10 =	smul.u32 $0x28000, s8  }
0x8: {  	_ =	strace $0x80000047;
	s11 =	ssub.s32 $0x2, s8;
	s8 =	sshll.u32 s8, $0x4  }
0x9: {  	s9 =	sshrl.u32 s6, $0x3;
	s12 =	sshrl.u32 s11, $0x1;
	s8 =	sor.u32 s0, s8  }
0xa: {  	s30 =	sadd.s32 s6, s2;
	s9 =	sadd.s32 s9, s5;
	s10 =	sadd.s32 s6, s10  }
0xb: {  	s11 =	ssub.s32 s11, s12;
	s8 =	smul.u32 $0x500, s8;
	s10 =	sshrl.u32 s10, $0x3  }
0xc: {  	s6 =	sor.u32 $0x1C01, s31;
	s12 =	simm.s32 $0x2800;
	s10 =	sadd.s32 s10, s5  }
0xd: {  	s5 =	sadd.s32 $0x1E00, s9;
	s7 =	sadd.s32 s7, s8;
	s9 =	smax.u32 s11, $0x1  }
0xe: {  	s11 =	simm.s32 $0x1;
	s8 =	sadd.s32 $0x7000, s10;
	s10 =	sshrl.u32 s30, $0x3  }
.LBB2_1:
0xf: {  	[spmem:s10], [sflag:s6] =	dma.local [hbm:s5], $0x500  }
0x10: {  	_ =	swait.ge [sflag:s11], $0x500  }
0x11: {  	[sflag:s11] =	ssyncset.done $0x0  }
0x12: {  	[sflag:s11] =	ssyncadd.s32 $0xFFFFFB00  }
0x13: {  	[tilespmem:s12], [sflag:$0x1] =	stream.linear.gather [hbm4b:s4+s3], $0x800, $0x38;
	[tilespmem:$0x5800] =	vst v63  }
0x14: {  	_ =	swait.ge [sflag:s11], $0x800  }
0x15: {  	[sflag:s11] =	ssyncset.done $0x0  }
0x16: {  	[sflag:s11] =	ssyncadd.s32 $0xFFFFF800  }
0x17: {  	[tilespmem:s3], [sflag:$0x1] =	stream.linear.gather [hbm4b:s7+s3], $0x2800, $0x38;
	[tilespmem:$0x5800] =	vst v63  }
0x18: {  	_ =	swait.ge [sflag:s11], $0x2800  }
0x19: {  	[sflag:s11] =	ssyncset.done $0x0  }
0x1a: {  	[sflag:s11] =	ssyncadd.s32 $0xFFFFD800  }
0x1b: {  	s15 =	simm.s32 $0x0;
	[bflag:$0x0] =	sbarrier.arrive $0xFFFF  }
0x1c: {  	[spmem:s2] =	stream.indirect.scatter.add.f32 [tilespmem:s12], [sflag:$0x1], $0x10, s15, s13, $0xb8;
	[tilespmem:$0x5800] =	vst v63  }
0x1d: {  	_ =	swait.ge [sflag:s11], $0x800  }
0x1e: {  	s15 =	simm.s32 $0x200;
	[sflag:s11] =	ssyncset.done $0x0  }
.LBB2_2:
0x1f: {  	s16 =	sshra.s32 s15, $0x2;
	[sflag:s11] =	ssyncadd.s32 $0xFFFFF800;
	p0 =	sne.s32 s15, $0x9E00  }
0x20: {  	[spmem:s2] =	stream.indirect.scatter.add.f32 [tilespmem:s12], [sflag:$0x1], $0x10, s16, s13, $0xb8;
	[tilespmem:$0x5800] =	vst v63  }
.Ltmp0:
0x21: {  	_ = 	snop;
	(pc) =	sbr.rel @p0 .LBB2_2-.Ltmp0, $4  }
0x22: {  	_ = 	snop  }
0x23: {  	s15 =	sadd.s32 $0x200, s15  }
0x24: {  	_ =	swait.ge [sflag:s11], $0x800  }
0x25: {  	[sflag:s11] =	ssyncset.done $0x0  }
0x26: {  	s14 =	sadd.s32 $0x1, s14  }
0x27: {  	[sflag:s11] =	ssyncadd.s32 $0xFFFFF800;
	p0 =	sne.s32 s14, s9  }
.Ltmp1:
0x28: {  	[bflag:$0x0] =	sbarrier.arrive $0xFFFF;
	(pc) =	sbr.rel @p0 .LBB2_1-.Ltmp1, $4  }
0x29: {  	[hbm:s8], [sflag:s6] =	dma.local [spmem:s10], $0x500  }
0x2a: {  	_ =	swait.ge [sflag:s11], $0x500  }
0x2b: {  	[sflag:s11] =	ssyncset.done $0x0  }
0x2c: {  	[sflag:s11] =	ssyncadd.s32 $0xFFFFFB00  }
0x2d: {  	_ =	sfence.sel $0x180000  }
0x2e: {  	[bflag:$0x0] =	sbarrier.arrive $0xFFFF  }
0x2f: {  	p0 =	sne.s32 s0, $0x0;
	_ =	strace $0x90000047  }
0x30: {  	s0 =	sadd.s32 @!p0 $0x100000, s1;
	[bflag:$0x2] =	sbarrier.arrive $0xFFFF  }
0x31: {  	[sflag:s0] =	ssyncadd.tile.s32 @!p0 $0x1;
	_ =	shalt  }
.Lfunc_end2:
_tile_overlayer_lowered:
.L_overlay_start_2:
0x32: {  	(tag) =	ssettag $0x2  }
0x33: {  	s0 =	rddreg [dreg:$0x0];
	s2 =	stileid.u32  }
0x34: {  	s1 =	rddreg [dreg:$0x1];
	p0 =	sne.s32 s2, $0x0  }
0x35: {  	s3 =	rddreg [dreg:$0x2];
	[bflag:$0x3] =	sbarrier.arrive $0xFFFF;
	s2 =	simm.s32 @!p0 $0x1C01  }
0x36: {  	[timem:s3], [sflag:s2] =	dma.local @!p0 [hbm:s0], s1  }
0x37: {  	s0 =	simm.s32 @!p0 $0x1  }
0x38: {  	_ =	swait.ge @!p0 [sflag:s0], s1  }
0x39: {  	s1 =	ssub.s32 @!p0 $0x0, s1;
	[sflag:s0] =	ssyncset.done @!p0 $0x0  }
0x3a: {  	[sflag:s0] =	ssyncadd.s32 @!p0 s1  }
0x3b: {  	[bflag:$0x3] =	sbarrier.arrive $0xFFFF  }
0x3c: {  	_ =	shalt  }

</sc_bundles>
